<compile_context>
chip_gen: v7x
topology: tpu7x:2x2x1
jax: 0.10.2.dev20260603
libtpu: 0.0.44.dev20260713+nightly
codegen_flags: <defaults>
</compile_context>

<pallas_src>
import functools

import jax
import jax.numpy as jnp
from jax import lax
from jax.experimental import pallas as pl
from jax.experimental.pallas import tpu as pltpu
from jax.experimental.pallas import tpu_sc as plsc

LANES = 16
CHUNK = 128
NBUF = 8
LEAD = 4
NW = 32


def kernel(input_BC, table):
    B, C = input_BC.shape
    V = table.shape[1]
    N = B * C
    per_w = N // NW
    n_chunks = per_w // CHUNK

    idx_flat = input_BC.reshape(N).astype(jnp.int32)

    mesh = plsc.VectorSubcoreMesh(core_axis_name="c", subcore_axis_name="s")
    cp = pltpu.CompilerParams(
        needs_layout_passes=False, use_tc_tiling_on_sc=False
    )

    scratch = (
        [pltpu.VMEM((per_w,), jnp.int32)]
        + [pltpu.VMEM((CHUNK, V), jnp.float32) for _ in range(NBUF)]
        + [pltpu.SemaphoreType.DMA for _ in range(2 * NBUF + 1)]
    )

    @functools.partial(
        pl.kernel,
        out_type=jax.ShapeDtypeStruct((N, V), jnp.float32),
        mesh=mesh,
        compiler_params=cp,
        scratch_types=scratch,
    )
    def embed(table_hbm, idx_hbm, out_hbm, idx_v, *rest):
        bufs = rest[:NBUF]
        gsem = rest[NBUF:2 * NBUF]
        ssem = rest[2 * NBUF:3 * NBUF]
        isem = rest[3 * NBUF]

        wid = lax.axis_index("s") * 2 + lax.axis_index("c")
        base = wid * per_w

        pltpu.make_async_copy(
            idx_hbm.at[pl.ds(base, per_w)], idx_v, isem
        ).start()
        pltpu.make_async_copy(
            idx_hbm.at[pl.ds(base, per_w)], idx_v, isem
        ).wait()

        def gather_desc(chunk, b):
            return pltpu.make_async_copy(
                table_hbm.at[idx_v.at[pl.ds(chunk * CHUNK, CHUNK)]],
                bufs[b],
                gsem[b],
            )

        def store_desc(chunk, b):
            return pltpu.make_async_copy(
                bufs[b],
                out_hbm.at[pl.ds(base + chunk * CHUNK, CHUNK)],
                ssem[b],
            )

        for c in range(LEAD):
            gather_desc(c, c % NBUF).start()

        lane = lax.iota(jnp.int32, LANES)
        cols = jnp.full((LANES,), V - 1, jnp.int32)
        cmod = jnp.full((LANES,), C, jnp.int32)

        @pl.loop(0, n_chunks, step=NBUF)
        def _(g0):
            for b in range(NBUF):
                g = g0 + b
                gc = g + LEAD
                bc = (b + LEAD) % NBUF

                @pl.when(jnp.logical_and(gc < n_chunks, gc >= NBUF))
                def _():
                    store_desc(gc - NBUF, bc).wait()
                    gather_desc(gc, bc).start()

                @pl.when(jnp.logical_and(gc < n_chunks, gc < NBUF))
                def _():
                    gather_desc(gc, bc).start()

                gather_desc(g, b).wait()
                row0 = base + g * CHUNK
                for k in range(CHUNK // LANES):
                    rows = lane + (k * LANES)
                    pos = lax.rem(lane + (row0 + k * LANES), cmod)
                    plsc.store_scatter(
                        bufs[b], [rows, cols], pos.astype(jnp.float32)
                    )
                store_desc(g, b).start()

        for b in range(NBUF):
            store_desc(n_chunks - NBUF + b, b).wait()

    out = embed(table, idx_flat)
    return out.reshape(B, C, V)

# --- scband reference (transcript-rebuilt; emitter-appended) ---
"""Pipeline reference for scband-standard-embedding-79937931313714 (READ-ONLY COPY).

The authoritative reference and input builder live on the scoring server;
editing this copy changes nothing except your own understanding.
"""

import jax, jax.numpy as jnp
import numpy as np

NUM_TOKENS = 1000000
EMBED_DIM = 64
SPLICE_CTX_POS = True


def setup_inputs(seed: int = 0) -> dict:
    key = jax.random.key(seed)
    k1, k2 = jax.random.split(key)
    input_BC = jax.random.randint(k1, (4096, 200), 0, NUM_TOKENS, dtype=jnp.int64 if jax.config.jax_enable_x64 else jnp.int32)
    table = jax.random.normal(k2, (NUM_TOKENS, EMBED_DIM), dtype=jnp.float32)
    return {"input_BC": input_BC, "table": table}


def reference(input_BC, table):
    # embedding lookup (gather): [B, C] -> [B, C, V]
    embed_BCV = jnp.take(table, input_BC, axis=0)
    if SPLICE_CTX_POS:
        B, C = input_BC.shape
        V = table.shape[1]
        # channel mask: True only on last channel
        channel_mask_V = jnp.zeros((V,), dtype=bool).at[-1].set(True)
        pos_C = jnp.arange(C, dtype=embed_BCV.dtype)
        # vmapped-over-batch splice: replace last channel with context position
        embed_BCV = jnp.where(channel_mask_V[None, None, :], pos_C[None, :, None], embed_BCV)
    return embed_BCV

if __name__ == "__main__":
    import jax
    _d = setup_inputs()
    print(jax.jit(kernel)(*tuple(_d.values())))

</pallas_src>

<mosaic_0001>
#map = affine_map<(d0, d1) -> (0, 0)>
#map1 = affine_map<(d0, d1) -> (0)>
module attributes {stable_mosaic.version = 14 : i64} {
  func.func @embed(%arg0: i32, %arg1: i32, %arg2: memref<1000000x64xf32, #tpu.memory_space<hbm>>, %arg3: memref<819200xi32, #tpu.memory_space<hbm>>, %arg4: memref<819200x64xf32, #tpu.memory_space<hbm>>, %arg5: memref<25600xi32, #tpu.memory_space<vmem>>, %arg6: memref<128x64xf32, #tpu.memory_space<vmem>>, %arg7: memref<128x64xf32, #tpu.memory_space<vmem>>, %arg8: memref<128x64xf32, #tpu.memory_space<vmem>>, %arg9: memref<128x64xf32, #tpu.memory_space<vmem>>, %arg10: memref<128x64xf32, #tpu.memory_space<vmem>>, %arg11: memref<128x64xf32, #tpu.memory_space<vmem>>, %arg12: memref<128x64xf32, #tpu.memory_space<vmem>>, %arg13: memref<128x64xf32, #tpu.memory_space<vmem>>, %arg14: memref<!tpu.dma_semaphore, #tpu.memory_space<semaphore_mem>>, %arg15: memref<!tpu.dma_semaphore, #tpu.memory_space<semaphore_mem>>, %arg16: memref<!tpu.dma_semaphore, #tpu.memory_space<semaphore_mem>>, %arg17: memref<!tpu.dma_semaphore, #tpu.memory_space<semaphore_mem>>, %arg18: memref<!tpu.dma_semaphore, #tpu.memory_space<semaphore_mem>>, %arg19: memref<!tpu.dma_semaphore, #tpu.memory_space<semaphore_mem>>, %arg20: memref<!tpu.dma_semaphore, #tpu.memory_space<semaphore_mem>>, %arg21: memref<!tpu.dma_semaphore, #tpu.memory_space<semaphore_mem>>, %arg22: memref<!tpu.dma_semaphore, #tpu.memory_space<semaphore_mem>>, %arg23: memref<!tpu.dma_semaphore, #tpu.memory_space<semaphore_mem>>, %arg24: memref<!tpu.dma_semaphore, #tpu.memory_space<semaphore_mem>>, %arg25: memref<!tpu.dma_semaphore, #tpu.memory_space<semaphore_mem>>, %arg26: memref<!tpu.dma_semaphore, #tpu.memory_space<semaphore_mem>>, %arg27: memref<!tpu.dma_semaphore, #tpu.memory_space<semaphore_mem>>, %arg28: memref<!tpu.dma_semaphore, #tpu.memory_space<semaphore_mem>>, %arg29: memref<!tpu.dma_semaphore, #tpu.memory_space<semaphore_mem>>, %arg30: memref<!tpu.dma_semaphore, #tpu.memory_space<semaphore_mem>>) attributes {dimension_semantics = [#tpu.dimension_semantics<core_parallel>, #tpu.dimension_semantics<subcore_parallel>], iteration_bounds = array<i64: 2, 16>, scalar_prefetch = 0 : i64, scratch_operands = 26 : i64, tpu.core_type = #tpu.core_type<sc_vector_subcore>, window_params = [{transform_indices = #map}, {transform_indices = #map1}, {transform_indices = #map}]} {
    %mul3A = arith.constant 2 : i32
    %mul3A_0 = arith.muli %arg1, %mul3A : i32
    %add3A = arith.addi %mul3A_0, %arg0 : i32
    %mul3A_1 = arith.constant 25600 : i32
    %mul3A_2 = arith.muli %add3A, %mul3A_1 : i32
    %dma_start3A = tpu.memref_slice %arg3[%mul3A_2] : memref<819200xi32, #tpu.memory_space<hbm>> -> memref<25600xi32, #tpu.memory_space<hbm>>
    %dma_start3A_3 = tpu.memref_slice %arg3[%mul3A_2] : memref<819200xi32, #tpu.memory_space<hbm>> -> memref<25600xi32, #tpu.memory_space<hbm>>
    tpu.enqueue_dma source(%dma_start3A_3 : memref<25600xi32, #tpu.memory_space<hbm>>) target(%arg5 : memref<25600xi32, #tpu.memory_space<vmem>>) target_semaphore(%arg30 : memref<!tpu.dma_semaphore, #tpu.memory_space<semaphore_mem>>)
    %dma_wait3A = tpu.memref_slice %arg3[%mul3A_2] : memref<819200xi32, #tpu.memory_space<hbm>> -> memref<25600xi32, #tpu.memory_space<hbm>>
    %dma_wait3A_4 = tpu.memref_slice %arg3[%mul3A_2] : memref<819200xi32, #tpu.memory_space<hbm>> -> memref<25600xi32, #tpu.memory_space<hbm>>
    tpu.wait_dma2 semaphore(%arg30 : memref<!tpu.dma_semaphore, #tpu.memory_space<semaphore_mem>>) src(%dma_wait3A_4 : memref<25600xi32, #tpu.memory_space<hbm>>) dst(%arg5 : memref<25600xi32, #tpu.memory_space<vmem>>)
    %dma_start3A_5 = arith.constant 0 : i32
    %dma_start3A_6 = tpu.memref_slice %arg5[%dma_start3A_5] : memref<25600xi32, #tpu.memory_space<vmem>> -> memref<128xi32, #tpu.memory_space<vmem>>
    %dma_start3A_7 = arith.constant 0 : i32
    %dma_start3A_8 = arith.constant 0 : i32
    %dma_start3A_9 = tpu.memref_slice %arg2[%dma_start3A_7, %dma_start3A_8] : memref<1000000x64xf32, #tpu.memory_space<hbm>> -> memref<1000000x64xf32, #tpu.memory_space<hbm>>
    tpu.enqueue_indirect_dma source(%dma_start3A_9 : memref<1000000x64xf32, #tpu.memory_space<hbm>>) target(%arg6 : memref<128x64xf32, #tpu.memory_space<vmem>>) offsets(%dma_start3A_6 : memref<128xi32, #tpu.memory_space<vmem>>) semaphore(%arg14 : memref<!tpu.dma_semaphore, #tpu.memory_space<semaphore_mem>>)
    %dma_start3A_10 = arith.constant 128 : i32
    %dma_start3A_11 = tpu.memref_slice %arg5[%dma_start3A_10] : memref<25600xi32, #tpu.memory_space<vmem>> -> memref<128xi32, #tpu.memory_space<vmem>>
    %dma_start3A_12 = arith.constant 0 : i32
    %dma_start3A_13 = arith.constant 0 : i32
    %dma_start3A_14 = tpu.memref_slice %arg2[%dma_start3A_12, %dma_start3A_13] : memref<1000000x64xf32, #tpu.memory_space<hbm>> -> memref<1000000x64xf32, #tpu.memory_space<hbm>>
    tpu.enqueue_indirect_dma source(%dma_start3A_14 : memref<1000000x64xf32, #tpu.memory_space<hbm>>) target(%arg7 : memref<128x64xf32, #tpu.memory_space<vmem>>) offsets(%dma_start3A_11 : memref<128xi32, #tpu.memory_space<vmem>>) semaphore(%arg15 : memref<!tpu.dma_semaphore, #tpu.memory_space<semaphore_mem>>)
    %dma_start3A_15 = arith.constant 256 : i32
    %dma_start3A_16 = tpu.memref_slice %arg5[%dma_start3A_15] : memref<25600xi32, #tpu.memory_space<vmem>> -> memref<128xi32, #tpu.memory_space<vmem>>
    %dma_start3A_17 = arith.constant 0 : i32
    %dma_start3A_18 = arith.constant 0 : i32
    %dma_start3A_19 = tpu.memref_slice %arg2[%dma_start3A_17, %dma_start3A_18] : memref<1000000x64xf32, #tpu.memory_space<hbm>> -> memref<1000000x64xf32, #tpu.memory_space<hbm>>
    tpu.enqueue_indirect_dma source(%dma_start3A_19 : memref<1000000x64xf32, #tpu.memory_space<hbm>>) target(%arg8 : memref<128x64xf32, #tpu.memory_space<vmem>>) offsets(%dma_start3A_16 : memref<128xi32, #tpu.memory_space<vmem>>) semaphore(%arg16 : memref<!tpu.dma_semaphore, #tpu.memory_space<semaphore_mem>>)
    %dma_start3A_20 = arith.constant 384 : i32
    %dma_start3A_21 = tpu.memref_slice %arg5[%dma_start3A_20] : memref<25600xi32, #tpu.memory_space<vmem>> -> memref<128xi32, #tpu.memory_space<vmem>>
    %dma_start3A_22 = arith.constant 0 : i32
    %dma_start3A_23 = arith.constant 0 : i32
    %dma_start3A_24 = tpu.memref_slice %arg2[%dma_start3A_22, %dma_start3A_23] : memref<1000000x64xf32, #tpu.memory_space<hbm>> -> memref<1000000x64xf32, #tpu.memory_space<hbm>>
    tpu.enqueue_indirect_dma source(%dma_start3A_24 : memref<1000000x64xf32, #tpu.memory_space<hbm>>) target(%arg9 : memref<128x64xf32, #tpu.memory_space<vmem>>) offsets(%dma_start3A_21 : memref<128xi32, #tpu.memory_space<vmem>>) semaphore(%arg17 : memref<!tpu.dma_semaphore, #tpu.memory_space<semaphore_mem>>)
    %iota3A = tpu.iota {dimensions = array<i32: 0>} : vector<16xi32>
    %broadcast_in_dim3A = arith.constant 63 : i32
    %broadcast_in_dim3A_25 = vector.broadcast %broadcast_in_dim3A : i32 to vector<16xi32>
    %broadcast_in_dim3A_26 = arith.constant 200 : i32
    %broadcast_in_dim3A_27 = vector.broadcast %broadcast_in_dim3A_26 : i32 to vector<16xi32>
    %scan3A = arith.constant 0 : i32
    %scan3A_28 = arith.constant 25 : i32
    %scan3A_29 = arith.addi %scan3A, %scan3A_28 : i32
    %scan3A_30 = arith.constant 1 : i32
    scf.for %scan3A_80 = %scan3A to %scan3A_29 step %scan3A_30  : i32 {
      %mul3A_81 = arith.constant 8 : i32
      %mul3A_82 = arith.muli %scan3A_80, %mul3A_81 : i32
      %add3A_83 = arith.constant 0 : i32
      %add3A_84 = arith.addi %add3A_83, %mul3A_82 : i32
      %add3A_85 = arith.constant 0 : i32
      %add3A_86 = arith.addi %add3A_84, %add3A_85 : i32
      %add3A_87 = arith.constant 4 : i32
      %add3A_88 = arith.addi %add3A_86, %add3A_87 : i32
      %lt3A = arith.constant 200 : i32
      %lt3A_89 = arith.cmpi slt, %add3A_88, %lt3A : i32
      %ge3A = arith.constant 8 : i32
      %ge3A_90 = arith.cmpi sge, %add3A_88, %ge3A : i32
      %and3A = arith.andi %lt3A_89, %ge3A_90 : i1
      %convert_element_type3A = arith.extui %and3A : i1 to i32
      %cond3A = arith.constant 0 : i32
      %cond3A_91 = arith.cmpi ne, %convert_element_type3A, %cond3A : i32
      scf.if %cond3A_91 {
        %sub3A = arith.constant 8 : i32
        %sub3A_943 = arith.subi %add3A_88, %sub3A : i32
        %mul3A_944 = arith.constant 128 : i32
        %mul3A_945 = arith.muli %sub3A_943, %mul3A_944 : i32
        %add3A_946 = arith.addi %mul3A_2, %mul3A_945 : i32
        %dma_wait3A_947 = arith.constant 0 : i32
        %dma_wait3A_948 = tpu.memref_slice %arg4[%add3A_946, %dma_wait3A_947] : memref<819200x64xf32, #tpu.memory_space<hbm>> -> memref<128x64xf32, #tpu.memory_space<hbm>>
        %dma_wait3A_949 = arith.constant 0 : i32
        %dma_wait3A_950 = tpu.memref_slice %arg4[%add3A_946, %dma_wait3A_949] : memref<819200x64xf32, #tpu.memory_space<hbm>> -> memref<128x64xf32, #tpu.memory_space<hbm>>
        tpu.wait_dma2 semaphore(%arg26 : memref<!tpu.dma_semaphore, #tpu.memory_space<semaphore_mem>>) src(%arg10 : memref<128x64xf32, #tpu.memory_space<vmem>>) dst(%dma_wait3A_950 : memref<128x64xf32, #tpu.memory_space<hbm>>)
        %mul3A_951 = arith.constant 128 : i32
        %mul3A_952 = arith.muli %add3A_88, %mul3A_951 : i32
        %dma_start3A_953 = tpu.memref_slice %arg5[%mul3A_952] : memref<25600xi32, #tpu.memory_space<vmem>> -> memref<128xi32, #tpu.memory_space<vmem>>
        %dma_start3A_954 = arith.constant 0 : i32
        %dma_start3A_955 = arith.constant 0 : i32
        %dma_start3A_956 = tpu.memref_slice %arg2[%dma_start3A_954, %dma_start3A_955] : memref<1000000x64xf32, #tpu.memory_space<hbm>> -> memref<1000000x64xf32, #tpu.memory_space<hbm>>
        tpu.enqueue_indirect_dma source(%dma_start3A_956 : memref<1000000x64xf32, #tpu.memory_space<hbm>>) target(%arg10 : memref<128x64xf32, #tpu.memory_space<vmem>>) offsets(%dma_start3A_953 : memref<128xi32, #tpu.memory_space<vmem>>) semaphore(%arg18 : memref<!tpu.dma_semaphore, #tpu.memory_space<semaphore_mem>>)
      } else {
      }
      %lt3A_92 = arith.constant 200 : i32
      %lt3A_93 = arith.cmpi slt, %add3A_88, %lt3A_92 : i32
      %lt3A_94 = arith.constant 8 : i32
      %lt3A_95 = arith.cmpi slt, %add3A_88, %lt3A_94 : i32
      %and3A_96 = arith.andi %lt3A_93, %lt3A_95 : i1
      %convert_element_type3A_97 = arith.extui %and3A_96 : i1 to i32
      %cond3A_98 = arith.constant 0 : i32
      %cond3A_99 = arith.cmpi ne, %convert_element_type3A_97, %cond3A_98 : i32
      scf.if %cond3A_99 {
        %mul3A_943 = arith.constant 128 : i32
        %mul3A_944 = arith.muli %add3A_88, %mul3A_943 : i32
        %dma_start3A_945 = tpu.memref_slice %arg5[%mul3A_944] : memref<25600xi32, #tpu.memory_space<vmem>> -> memref<128xi32, #tpu.memory_space<vmem>>
        %dma_start3A_946 = arith.constant 0 : i32
        %dma_start3A_947 = arith.constant 0 : i32
        %dma_start3A_948 = tpu.memref_slice %arg2[%dma_start3A_946, %dma_start3A_947] : memref<1000000x64xf32, #tpu.memory_space<hbm>> -> memref<1000000x64xf32, #tpu.memory_space<hbm>>
        tpu.enqueue_indirect_dma source(%dma_start3A_948 : memref<1000000x64xf32, #tpu.memory_space<hbm>>) target(%arg10 : memref<128x64xf32, #tpu.memory_space<vmem>>) offsets(%dma_start3A_945 : memref<128xi32, #tpu.memory_space<vmem>>) semaphore(%arg18 : memref<!tpu.dma_semaphore, #tpu.memory_space<semaphore_mem>>)
      } else {
      }
      %mul3A_100 = arith.constant 128 : i32
      %mul3A_101 = arith.muli %add3A_86, %mul3A_100 : i32
      %dma_wait3A_102 = tpu.memref_slice %arg5[%mul3A_101] : memref<25600xi32, #tpu.memory_space<vmem>> -> memref<128xi32, #tpu.memory_space<vmem>>
      %dma_wait3A_103 = arith.constant 0 : i32
      %dma_wait3A_104 = arith.constant 0 : i32
      %dma_wait3A_105 = tpu.memref_slice %arg2[%dma_wait3A_103, %dma_wait3A_104] : memref<1000000x64xf32, #tpu.memory_space<hbm>> -> memref<1000000x64xf32, #tpu.memory_space<hbm>>
      tpu.wait_indirect_dma semaphore(%arg14 : memref<!tpu.dma_semaphore, #tpu.memory_space<semaphore_mem>>) src(%dma_wait3A_105 : memref<1000000x64xf32, #tpu.memory_space<hbm>>) dst(%arg6 : memref<128x64xf32, #tpu.memory_space<vmem>>)
      %mul3A_106 = arith.constant 128 : i32
      %mul3A_107 = arith.muli %add3A_86, %mul3A_106 : i32
      %add3A_108 = arith.addi %mul3A_2, %mul3A_107 : i32
      %add3A_109 = arith.constant 0 : i32
      %add3A_110 = vector.broadcast %add3A_109 : i32 to vector<16xi32>
      %add3A_111 = arith.addi %iota3A, %add3A_110 : vector<16xi32>
      %add3A_112 = arith.constant 0 : i32
      %add3A_113 = arith.addi %add3A_108, %add3A_112 : i32
      %add3A_114 = vector.broadcast %add3A_113 : i32 to vector<16xi32>
      %add3A_115 = arith.addi %iota3A, %add3A_114 : vector<16xi32>
      %rem3A = arith.remsi %add3A_115, %broadcast_in_dim3A_27 : vector<16xi32>
      %convert_element_type3A_116 = arith.sitofp %rem3A : vector<16xi32> to vector<16xf32>
      tpu.vector_store_idx %arg6[%add3A_111, %broadcast_in_dim3A_25], %convert_element_type3A_116 : memref<128x64xf32, #tpu.memory_space<vmem>>[vector<16xi32>, vector<16xi32>], vector<16xf32>,
      %add3A_117 = arith.constant 16 : i32
      %add3A_118 = vector.broadcast %add3A_117 : i32 to vector<16xi32>
      %add3A_119 = arith.addi %iota3A, %add3A_118 : vector<16xi32>
      %add3A_120 = arith.constant 16 : i32
      %add3A_121 = arith.addi %add3A_108, %add3A_120 : i32
      %add3A_122 = vector.broadcast %add3A_121 : i32 to vector<16xi32>
      %add3A_123 = arith.addi %iota3A, %add3A_122 : vector<16xi32>
      %rem3A_124 = arith.remsi %add3A_123, %broadcast_in_dim3A_27 : vector<16xi32>
      %convert_element_type3A_125 = arith.sitofp %rem3A_124 : vector<16xi32> to vector<16xf32>
      tpu.vector_store_idx %arg6[%add3A_119, %broadcast_in_dim3A_25], %convert_element_type3A_125 : memref<128x64xf32, #tpu.memory_space<vmem>>[vector<16xi32>, vector<16xi32>], vector<16xf32>,
      %add3A_126 = arith.constant 32 : i32
      %add3A_127 = vector.broadcast %add3A_126 : i32 to vector<16xi32>
      %add3A_128 = arith.addi %iota3A, %add3A_127 : vector<16xi32>
      %add3A_129 = arith.constant 32 : i32
      %add3A_130 = arith.addi %add3A_108, %add3A_129 : i32
      %add3A_131 = vector.broadcast %add3A_130 : i32 to vector<16xi32>
      %add3A_132 = arith.addi %iota3A, %add3A_131 : vector<16xi32>
      %rem3A_133 = arith.remsi %add3A_132, %broadcast_in_dim3A_27 : vector<16xi32>
      %convert_element_type3A_134 = arith.sitofp %rem3A_133 : vector<16xi32> to vector<16xf32>
      tpu.vector_store_idx %arg6[%add3A_128, %broadcast_in_dim3A_25], %convert_element_type3A_134 : memref<128x64xf32, #tpu.memory_space<vmem>>[vector<16xi32>, vector<16xi32>], vector<16xf32>,
      %add3A_135 = arith.constant 48 : i32
      %add3A_136 = vector.broadcast %add3A_135 : i32 to vector<16xi32>
      %add3A_137 = arith.addi %iota3A, %add3A_136 : vector<16xi32>
      %add3A_138 = arith.constant 48 : i32
      %add3A_139 = arith.addi %add3A_108, %add3A_138 : i32
      %add3A_140 = vector.broadcast %add3A_139 : i32 to vector<16xi32>
      %add3A_141 = arith.addi %iota3A, %add3A_140 : vector<16xi32>
      %rem3A_142 = arith.remsi %add3A_141, %broadcast_in_dim3A_27 : vector<16xi32>
      %convert_element_type3A_143 = arith.sitofp %rem3A_142 : vector<16xi32> to vector<16xf32>
      tpu.vector_store_idx %arg6[%add3A_137, %broadcast_in_dim3A_25], %convert_element_type3A_143 : memref<128x64xf32, #tpu.memory_space<vmem>>[vector<16xi32>, vector<16xi32>], vector<16xf32>,
      %add3A_144 = arith.constant 64 : i32
      %add3A_145 = vector.broadcast %add3A_144 : i32 to vector<16xi32>
      %add3A_146 = arith.addi %iota3A, %add3A_145 : vector<16xi32>
      %add3A_147 = arith.constant 64 : i32
      %add3A_148 = arith.addi %add3A_108, %add3A_147 : i32
      %add3A_149 = vector.broadcast %add3A_148 : i32 to vector<16xi32>
      %add3A_150 = arith.addi %iota3A, %add3A_149 : vector<16xi32>
      %rem3A_151 = arith.remsi %add3A_150, %broadcast_in_dim3A_27 : vector<16xi32>
      %convert_element_type3A_152 = arith.sitofp %rem3A_151 : vector<16xi32> to vector<16xf32>
      tpu.vector_store_idx %arg6[%add3A_146, %broadcast_in_dim3A_25], %convert_element_type3A_152 : memref<128x64xf32, #tpu.memory_space<vmem>>[vector<16xi32>, vector<16xi32>], vector<16xf32>,
      %add3A_153 = arith.constant 80 : i32
      %add3A_154 = vector.broadcast %add3A_153 : i32 to vector<16xi32>
      %add3A_155 = arith.addi %iota3A, %add3A_154 : vector<16xi32>
      %add3A_156 = arith.constant 80 : i32
      %add3A_157 = arith.addi %add3A_108, %add3A_156 : i32
      %add3A_158 = vector.broadcast %add3A_157 : i32 to vector<16xi32>
      %add3A_159 = arith.addi %iota3A, %add3A_158 : vector<16xi32>
      %rem3A_160 = arith.remsi %add3A_159, %broadcast_in_dim3A_27 : vector<16xi32>
      %convert_element_type3A_161 = arith.sitofp %rem3A_160 : vector<16xi32> to vector<16xf32>
      tpu.vector_store_idx %arg6[%add3A_155, %broadcast_in_dim3A_25], %convert_element_type3A_161 : memref<128x64xf32, #tpu.memory_space<vmem>>[vector<16xi32>, vector<16xi32>], vector<16xf32>,
      %add3A_162 = arith.constant 96 : i32
      %add3A_163 = vector.broadcast %add3A_162 : i32 to vector<16xi32>
      %add3A_164 = arith.addi %iota3A, %add3A_163 : vector<16xi32>
      %add3A_165 = arith.constant 96 : i32
      %add3A_166 = arith.addi %add3A_108, %add3A_165 : i32
      %add3A_167 = vector.broadcast %add3A_166 : i32 to vector<16xi32>
      %add3A_168 = arith.addi %iota3A, %add3A_167 : vector<16xi32>
      %rem3A_169 = arith.remsi %add3A_168, %broadcast_in_dim3A_27 : vector<16xi32>
      %convert_element_type3A_170 = arith.sitofp %rem3A_169 : vector<16xi32> to vector<16xf32>
      tpu.vector_store_idx %arg6[%add3A_164, %broadcast_in_dim3A_25], %convert_element_type3A_170 : memref<128x64xf32, #tpu.memory_space<vmem>>[vector<16xi32>, vector<16xi32>], vector<16xf32>,
      %add3A_171 = arith.constant 112 : i32
      %add3A_172 = vector.broadcast %add3A_171 : i32 to vector<16xi32>
      %add3A_173 = arith.addi %iota3A, %add3A_172 : vector<16xi32>
      %add3A_174 = arith.constant 112 : i32
      %add3A_175 = arith.addi %add3A_108, %add3A_174 : i32
      %add3A_176 = vector.broadcast %add3A_175 : i32 to vector<16xi32>
      %add3A_177 = arith.addi %iota3A, %add3A_176 : vector<16xi32>
      %rem3A_178 = arith.remsi %add3A_177, %broadcast_in_dim3A_27 : vector<16xi32>
      %convert_element_type3A_179 = arith.sitofp %rem3A_178 : vector<16xi32> to vector<16xf32>
      tpu.vector_store_idx %arg6[%add3A_173, %broadcast_in_dim3A_25], %convert_element_type3A_179 : memref<128x64xf32, #tpu.memory_space<vmem>>[vector<16xi32>, vector<16xi32>], vector<16xf32>,
      %mul3A_180 = arith.constant 128 : i32
      %mul3A_181 = arith.muli %add3A_86, %mul3A_180 : i32
      %add3A_182 = arith.addi %mul3A_2, %mul3A_181 : i32
      %dma_start3A_183 = arith.constant 0 : i32
      %dma_start3A_184 = tpu.memref_slice %arg4[%add3A_182, %dma_start3A_183] : memref<819200x64xf32, #tpu.memory_space<hbm>> -> memref<128x64xf32, #tpu.memory_space<hbm>>
      %dma_start3A_185 = arith.constant 0 : i32
      %dma_start3A_186 = tpu.memref_slice %arg4[%add3A_182, %dma_start3A_185] : memref<819200x64xf32, #tpu.memory_space<hbm>> -> memref<128x64xf32, #tpu.memory_space<hbm>>
      tpu.enqueue_dma source(%arg6 : memref<128x64xf32, #tpu.memory_space<vmem>>) target(%dma_start3A_186 : memref<128x64xf32, #tpu.memory_space<hbm>>) target_semaphore(%arg22 : memref<!tpu.dma_semaphore, #tpu.memory_space<semaphore_mem>>)
      %add3A_187 = arith.constant 1 : i32
      %add3A_188 = arith.addi %add3A_84, %add3A_187 : i32
      %add3A_189 = arith.constant 4 : i32
      %add3A_190 = arith.addi %add3A_188, %add3A_189 : i32
      %lt3A_191 = arith.constant 200 : i32
      %lt3A_192 = arith.cmpi slt, %add3A_190, %lt3A_191 : i32
      %ge3A_193 = arith.constant 8 : i32
      %ge3A_194 = arith.cmpi sge, %add3A_190, %ge3A_193 : i32
      %and3A_195 = arith.andi %lt3A_192, %ge3A_194 : i1
      %convert_element_type3A_196 = arith.extui %and3A_195 : i1 to i32
      %cond3A_197 = arith.constant 0 : i32
      %cond3A_198 = arith.cmpi ne, %convert_element_type3A_196, %cond3A_197 : i32
      scf.if %cond3A_198 {
        %sub3A = arith.constant 8 : i32
        %sub3A_943 = arith.subi %add3A_190, %sub3A : i32
        %mul3A_944 = arith.constant 128 : i32
        %mul3A_945 = arith.muli %sub3A_943, %mul3A_944 : i32
        %add3A_946 = arith.addi %mul3A_2, %mul3A_945 : i32
        %dma_wait3A_947 = arith.constant 0 : i32
        %dma_wait3A_948 = tpu.memref_slice %arg4[%add3A_946, %dma_wait3A_947] : memref<819200x64xf32, #tpu.memory_space<hbm>> -> memref<128x64xf32, #tpu.memory_space<hbm>>
        %dma_wait3A_949 = arith.constant 0 : i32
        %dma_wait3A_950 = tpu.memref_slice %arg4[%add3A_946, %dma_wait3A_949] : memref<819200x64xf32, #tpu.memory_space<hbm>> -> memref<128x64xf32, #tpu.memory_space<hbm>>
        tpu.wait_dma2 semaphore(%arg27 : memref<!tpu.dma_semaphore, #tpu.memory_space<semaphore_mem>>) src(%arg11 : memref<128x64xf32, #tpu.memory_space<vmem>>) dst(%dma_wait3A_950 : memref<128x64xf32, #tpu.memory_space<hbm>>)
        %mul3A_951 = arith.constant 128 : i32
        %mul3A_952 = arith.muli %add3A_190, %mul3A_951 : i32
        %dma_start3A_953 = tpu.memref_slice %arg5[%mul3A_952] : memref<25600xi32, #tpu.memory_space<vmem>> -> memref<128xi32, #tpu.memory_space<vmem>>
        %dma_start3A_954 = arith.constant 0 : i32
        %dma_start3A_955 = arith.constant 0 : i32
        %dma_start3A_956 = tpu.memref_slice %arg2[%dma_start3A_954, %dma_start3A_955] : memref<1000000x64xf32, #tpu.memory_space<hbm>> -> memref<1000000x64xf32, #tpu.memory_space<hbm>>
        tpu.enqueue_indirect_dma source(%dma_start3A_956 : memref<1000000x64xf32, #tpu.memory_space<hbm>>) target(%arg11 : memref<128x64xf32, #tpu.memory_space<vmem>>) offsets(%dma_start3A_953 : memref<128xi32, #tpu.memory_space<vmem>>) semaphore(%arg19 : memref<!tpu.dma_semaphore, #tpu.memory_space<semaphore_mem>>)
      } else {
      }
      %lt3A_199 = arith.constant 200 : i32
      %lt3A_200 = arith.cmpi slt, %add3A_190, %lt3A_199 : i32
      %lt3A_201 = arith.constant 8 : i32
      %lt3A_202 = arith.cmpi slt, %add3A_190, %lt3A_201 : i32
      %and3A_203 = arith.andi %lt3A_200, %lt3A_202 : i1
      %convert_element_type3A_204 = arith.extui %and3A_203 : i1 to i32
      %cond3A_205 = arith.constant 0 : i32
      %cond3A_206 = arith.cmpi ne, %convert_element_type3A_204, %cond3A_205 : i32
      scf.if %cond3A_206 {
        %mul3A_943 = arith.constant 128 : i32
        %mul3A_944 = arith.muli %add3A_190, %mul3A_943 : i32
        %dma_start3A_945 = tpu.memref_slice %arg5[%mul3A_944] : memref<25600xi32, #tpu.memory_space<vmem>> -> memref<128xi32, #tpu.memory_space<vmem>>
        %dma_start3A_946 = arith.constant 0 : i32
        %dma_start3A_947 = arith.constant 0 : i32
        %dma_start3A_948 = tpu.memref_slice %arg2[%dma_start3A_946, %dma_start3A_947] : memref<1000000x64xf32, #tpu.memory_space<hbm>> -> memref<1000000x64xf32, #tpu.memory_space<hbm>>
        tpu.enqueue_indirect_dma source(%dma_start3A_948 : memref<1000000x64xf32, #tpu.memory_space<hbm>>) target(%arg11 : memref<128x64xf32, #tpu.memory_space<vmem>>) offsets(%dma_start3A_945 : memref<128xi32, #tpu.memory_space<vmem>>) semaphore(%arg19 : memref<!tpu.dma_semaphore, #tpu.memory_space<semaphore_mem>>)
      } else {
      }
      %mul3A_207 = arith.constant 128 : i32
      %mul3A_208 = arith.muli %add3A_188, %mul3A_207 : i32
      %dma_wait3A_209 = tpu.memref_slice %arg5[%mul3A_208] : memref<25600xi32, #tpu.memory_space<vmem>> -> memref<128xi32, #tpu.memory_space<vmem>>
      %dma_wait3A_210 = arith.constant 0 : i32
      %dma_wait3A_211 = arith.constant 0 : i32
      %dma_wait3A_212 = tpu.memref_slice %arg2[%dma_wait3A_210, %dma_wait3A_211] : memref<1000000x64xf32, #tpu.memory_space<hbm>> -> memref<1000000x64xf32, #tpu.memory_space<hbm>>
      tpu.wait_indirect_dma semaphore(%arg15 : memref<!tpu.dma_semaphore, #tpu.memory_space<semaphore_mem>>) src(%dma_wait3A_212 : memref<1000000x64xf32, #tpu.memory_space<hbm>>) dst(%arg7 : memref<128x64xf32, #tpu.memory_space<vmem>>)
      %mul3A_213 = arith.constant 128 : i32
      %mul3A_214 = arith.muli %add3A_188, %mul3A_213 : i32
      %add3A_215 = arith.addi %mul3A_2, %mul3A_214 : i32
      %add3A_216 = arith.constant 0 : i32
      %add3A_217 = vector.broadcast %add3A_216 : i32 to vector<16xi32>
      %add3A_218 = arith.addi %iota3A, %add3A_217 : vector<16xi32>
      %add3A_219 = arith.constant 0 : i32
      %add3A_220 = arith.addi %add3A_215, %add3A_219 : i32
      %add3A_221 = vector.broadcast %add3A_220 : i32 to vector<16xi32>
      %add3A_222 = arith.addi %iota3A, %add3A_221 : vector<16xi32>
      %rem3A_223 = arith.remsi %add3A_222, %broadcast_in_dim3A_27 : vector<16xi32>
      %convert_element_type3A_224 = arith.sitofp %rem3A_223 : vector<16xi32> to vector<16xf32>
      tpu.vector_store_idx %arg7[%add3A_218, %broadcast_in_dim3A_25], %convert_element_type3A_224 : memref<128x64xf32, #tpu.memory_space<vmem>>[vector<16xi32>, vector<16xi32>], vector<16xf32>,
      %add3A_225 = arith.constant 16 : i32
      %add3A_226 = vector.broadcast %add3A_225 : i32 to vector<16xi32>
      %add3A_227 = arith.addi %iota3A, %add3A_226 : vector<16xi32>
      %add3A_228 = arith.constant 16 : i32
      %add3A_229 = arith.addi %add3A_215, %add3A_228 : i32
      %add3A_230 = vector.broadcast %add3A_229 : i32 to vector<16xi32>
      %add3A_231 = arith.addi %iota3A, %add3A_230 : vector<16xi32>
      %rem3A_232 = arith.remsi %add3A_231, %broadcast_in_dim3A_27 : vector<16xi32>
      %convert_element_type3A_233 = arith.sitofp %rem3A_232 : vector<16xi32> to vector<16xf32>
      tpu.vector_store_idx %arg7[%add3A_227, %broadcast_in_dim3A_25], %convert_element_type3A_233 : memref<128x64xf32, #tpu.memory_space<vmem>>[vector<16xi32>, vector<16xi32>], vector<16xf32>,
      %add3A_234 = arith.constant 32 : i32
      %add3A_235 = vector.broadcast %add3A_234 : i32 to vector<16xi32>
      %add3A_236 = arith.addi %iota3A, %add3A_235 : vector<16xi32>
      %add3A_237 = arith.constant 32 : i32
      %add3A_238 = arith.addi %add3A_215, %add3A_237 : i32
      %add3A_239 = vector.broadcast %add3A_238 : i32 to vector<16xi32>
      %add3A_240 = arith.addi %iota3A, %add3A_239 : vector<16xi32>
      %rem3A_241 = arith.remsi %add3A_240, %broadcast_in_dim3A_27 : vector<16xi32>
      %convert_element_type3A_242 = arith.sitofp %rem3A_241 : vector<16xi32> to vector<16xf32>
      tpu.vector_store_idx %arg7[%add3A_236, %broadcast_in_dim3A_25], %convert_element_type3A_242 : memref<128x64xf32, #tpu.memory_space<vmem>>[vector<16xi32>, vector<16xi32>], vector<16xf32>,
      %add3A_243 = arith.constant 48 : i32
      %add3A_244 = vector.broadcast %add3A_243 : i32 to vector<16xi32>
      %add3A_245 = arith.addi %iota3A, %add3A_244 : vector<16xi32>
      %add3A_246 = arith.constant 48 : i32
      %add3A_247 = arith.addi %add3A_215, %add3A_246 : i32
      %add3A_248 = vector.broadcast %add3A_247 : i32 to vector<16xi32>
      %add3A_249 = arith.addi %iota3A, %add3A_248 : vector<16xi32>
      %rem3A_250 = arith.remsi %add3A_249, %broadcast_in_dim3A_27 : vector<16xi32>
      %convert_element_type3A_251 = arith.sitofp %rem3A_250 : vector<16xi32> to vector<16xf32>
      tpu.vector_store_idx %arg7[%add3A_245, %broadcast_in_dim3A_25], %convert_element_type3A_251 : memref<128x64xf32, #tpu.memory_space<vmem>>[vector<16xi32>, vector<16xi32>], vector<16xf32>,
      %add3A_252 = arith.constant 64 : i32
      %add3A_253 = vector.broadcast %add3A_252 : i32 to vector<16xi32>
      %add3A_254 = arith.addi %iota3A, %add3A_253 : vector<16xi32>
      %add3A_255 = arith.constant 64 : i32
      %add3A_256 = arith.addi %add3A_215, %add3A_255 : i32
      %add3A_257 = vector.broadcast %add3A_256 : i32 to vector<16xi32>
      %add3A_258 = arith.addi %iota3A, %add3A_257 : vector<16xi32>
      %rem3A_259 = arith.remsi %add3A_258, %broadcast_in_dim3A_27 : vector<16xi32>
      %convert_element_type3A_260 = arith.sitofp %rem3A_259 : vector<16xi32> to vector<16xf32>
      tpu.vector_store_idx %arg7[%add3A_254, %broadcast_in_dim3A_25], %convert_element_type3A_260 : memref<128x64xf32, #tpu.memory_space<vmem>>[vector<16xi32>, vector<16xi32>], vector<16xf32>,
      %add3A_261 = arith.constant 80 : i32
      %add3A_262 = vector.broadcast %add3A_261 : i32 to vector<16xi32>
      %add3A_263 = arith.addi %iota3A, %add3A_262 : vector<16xi32>
      %add3A_264 = arith.constant 80 : i32
      %add3A_265 = arith.addi %add3A_215, %add3A_264 : i32
      %add3A_266 = vector.broadcast %add3A_265 : i32 to vector<16xi32>
      %add3A_267 = arith.addi %iota3A, %add3A_266 : vector<16xi32>
      %rem3A_268 = arith.remsi %add3A_267, %broadcast_in_dim3A_27 : vector<16xi32>
      %convert_element_type3A_269 = arith.sitofp %rem3A_268 : vector<16xi32> to vector<16xf32>
      tpu.vector_store_idx %arg7[%add3A_263, %broadcast_in_dim3A_25], %convert_element_type3A_269 : memref<128x64xf32, #tpu.memory_space<vmem>>[vector<16xi32>, vector<16xi32>], vector<16xf32>,
      %add3A_270 = arith.constant 96 : i32
      %add3A_271 = vector.broadcast %add3A_270 : i32 to vector<16xi32>
      %add3A_272 = arith.addi %iota3A, %add3A_271 : vector<16xi32>
      %add3A_273 = arith.constant 96 : i32
      %add3A_274 = arith.addi %add3A_215, %add3A_273 : i32
      %add3A_275 = vector.broadcast %add3A_274 : i32 to vector<16xi32>
      %add3A_276 = arith.addi %iota3A, %add3A_275 : vector<16xi32>
      %rem3A_277 = arith.remsi %add3A_276, %broadcast_in_dim3A_27 : vector<16xi32>
      %convert_element_type3A_278 = arith.sitofp %rem3A_277 : vector<16xi32> to vector<16xf32>
      tpu.vector_store_idx %arg7[%add3A_272, %broadcast_in_dim3A_25], %convert_element_type3A_278 : memref<128x64xf32, #tpu.memory_space<vmem>>[vector<16xi32>, vector<16xi32>], vector<16xf32>,
      %add3A_279 = arith.constant 112 : i32
      %add3A_280 = vector.broadcast %add3A_279 : i32 to vector<16xi32>
      %add3A_281 = arith.addi %iota3A, %add3A_280 : vector<16xi32>
      %add3A_282 = arith.constant 112 : i32
      %add3A_283 = arith.addi %add3A_215, %add3A_282 : i32
      %add3A_284 = vector.broadcast %add3A_283 : i32 to vector<16xi32>
      %add3A_285 = arith.addi %iota3A, %add3A_284 : vector<16xi32>
      %rem3A_286 = arith.remsi %add3A_285, %broadcast_in_dim3A_27 : vector<16xi32>
      %convert_element_type3A_287 = arith.sitofp %rem3A_286 : vector<16xi32> to vector<16xf32>
      tpu.vector_store_idx %arg7[%add3A_281, %broadcast_in_dim3A_25], %convert_element_type3A_287 : memref<128x64xf32, #tpu.memory_space<vmem>>[vector<16xi32>, vector<16xi32>], vector<16xf32>,
      %mul3A_288 = arith.constant 128 : i32
      %mul3A_289 = arith.muli %add3A_188, %mul3A_288 : i32
      %add3A_290 = arith.addi %mul3A_2, %mul3A_289 : i32
      %dma_start3A_291 = arith.constant 0 : i32
      %dma_start3A_292 = tpu.memref_slice %arg4[%add3A_290, %dma_start3A_291] : memref<819200x64xf32, #tpu.memory_space<hbm>> -> memref<128x64xf32, #tpu.memory_space<hbm>>
      %dma_start3A_293 = arith.constant 0 : i32
      %dma_start3A_294 = tpu.memref_slice %arg4[%add3A_290, %dma_start3A_293] : memref<819200x64xf32, #tpu.memory_space<hbm>> -> memref<128x64xf32, #tpu.memory_space<hbm>>
      tpu.enqueue_dma source(%arg7 : memref<128x64xf32, #tpu.memory_space<vmem>>) target(%dma_start3A_294 : memref<128x64xf32, #tpu.memory_space<hbm>>) target_semaphore(%arg23 : memref<!tpu.dma_semaphore, #tpu.memory_space<semaphore_mem>>)
      %add3A_295 = arith.constant 2 : i32
      %add3A_296 = arith.addi %add3A_84, %add3A_295 : i32
      %add3A_297 = arith.constant 4 : i32
      %add3A_298 = arith.addi %add3A_296, %add3A_297 : i32
      %lt3A_299 = arith.constant 200 : i32
      %lt3A_300 = arith.cmpi slt, %add3A_298, %lt3A_299 : i32
      %ge3A_301 = arith.constant 8 : i32
      %ge3A_302 = arith.cmpi sge, %add3A_298, %ge3A_301 : i32
      %and3A_303 = arith.andi %lt3A_300, %ge3A_302 : i1
      %convert_element_type3A_304 = arith.extui %and3A_303 : i1 to i32
      %cond3A_305 = arith.constant 0 : i32
      %cond3A_306 = arith.cmpi ne, %convert_element_type3A_304, %cond3A_305 : i32
      scf.if %cond3A_306 {
        %sub3A = arith.constant 8 : i32
        %sub3A_943 = arith.subi %add3A_298, %sub3A : i32
        %mul3A_944 = arith.constant 128 : i32
        %mul3A_945 = arith.muli %sub3A_943, %mul3A_944 : i32
        %add3A_946 = arith.addi %mul3A_2, %mul3A_945 : i32
        %dma_wait3A_947 = arith.constant 0 : i32
        %dma_wait3A_948 = tpu.memref_slice %arg4[%add3A_946, %dma_wait3A_947] : memref<819200x64xf32, #tpu.memory_space<hbm>> -> memref<128x64xf32, #tpu.memory_space<hbm>>
        %dma_wait3A_949 = arith.constant 0 : i32
        %dma_wait3A_950 = tpu.memref_slice %arg4[%add3A_946, %dma_wait3A_949] : memref<819200x64xf32, #tpu.memory_space<hbm>> -> memref<128x64xf32, #tpu.memory_space<hbm>>
        tpu.wait_dma2 semaphore(%arg28 : memref<!tpu.dma_semaphore, #tpu.memory_space<semaphore_mem>>) src(%arg12 : memref<128x64xf32, #tpu.memory_space<vmem>>) dst(%dma_wait3A_950 : memref<128x64xf32, #tpu.memory_space<hbm>>)
        %mul3A_951 = arith.constant 128 : i32
        %mul3A_952 = arith.muli %add3A_298, %mul3A_951 : i32
        %dma_start3A_953 = tpu.memref_slice %arg5[%mul3A_952] : memref<25600xi32, #tpu.memory_space<vmem>> -> memref<128xi32, #tpu.memory_space<vmem>>
        %dma_start3A_954 = arith.constant 0 : i32
        %dma_start3A_955 = arith.constant 0 : i32
        %dma_start3A_956 = tpu.memref_slice %arg2[%dma_start3A_954, %dma_start3A_955] : memref<1000000x64xf32, #tpu.memory_space<hbm>> -> memref<1000000x64xf32, #tpu.memory_space<hbm>>
        tpu.enqueue_indirect_dma source(%dma_start3A_956 : memref<1000000x64xf32, #tpu.memory_space<hbm>>) target(%arg12 : memref<128x64xf32, #tpu.memory_space<vmem>>) offsets(%dma_start3A_953 : memref<128xi32, #tpu.memory_space<vmem>>) semaphore(%arg20 : memref<!tpu.dma_semaphore, #tpu.memory_space<semaphore_mem>>)
      } else {
      }
      %lt3A_307 = arith.constant 200 : i32
      %lt3A_308 = arith.cmpi slt, %add3A_298, %lt3A_307 : i32
      %lt3A_309 = arith.constant 8 : i32
      %lt3A_310 = arith.cmpi slt, %add3A_298, %lt3A_309 : i32
      %and3A_311 = arith.andi %lt3A_308, %lt3A_310 : i1
      %convert_element_type3A_312 = arith.extui %and3A_311 : i1 to i32
      %cond3A_313 = arith.constant 0 : i32
      %cond3A_314 = arith.cmpi ne, %convert_element_type3A_312, %cond3A_313 : i32
      scf.if %cond3A_314 {
        %mul3A_943 = arith.constant 128 : i32
        %mul3A_944 = arith.muli %add3A_298, %mul3A_943 : i32
        %dma_start3A_945 = tpu.memref_slice %arg5[%mul3A_944] : memref<25600xi32, #tpu.memory_space<vmem>> -> memref<128xi32, #tpu.memory_space<vmem>>
        %dma_start3A_946 = arith.constant 0 : i32
        %dma_start3A_947 = arith.constant 0 : i32
        %dma_start3A_948 = tpu.memref_slice %arg2[%dma_start3A_946, %dma_start3A_947] : memref<1000000x64xf32, #tpu.memory_space<hbm>> -> memref<1000000x64xf32, #tpu.memory_space<hbm>>
        tpu.enqueue_indirect_dma source(%dma_start3A_948 : memref<1000000x64xf32, #tpu.memory_space<hbm>>) target(%arg12 : memref<128x64xf32, #tpu.memory_space<vmem>>) offsets(%dma_start3A_945 : memref<128xi32, #tpu.memory_space<vmem>>) semaphore(%arg20 : memref<!tpu.dma_semaphore, #tpu.memory_space<semaphore_mem>>)
      } else {
      }
      %mul3A_315 = arith.constant 128 : i32
      %mul3A_316 = arith.muli %add3A_296, %mul3A_315 : i32
      %dma_wait3A_317 = tpu.memref_slice %arg5[%mul3A_316] : memref<25600xi32, #tpu.memory_space<vmem>> -> memref<128xi32, #tpu.memory_space<vmem>>
      %dma_wait3A_318 = arith.constant 0 : i32
      %dma_wait3A_319 = arith.constant 0 : i32
      %dma_wait3A_320 = tpu.memref_slice %arg2[%dma_wait3A_318, %dma_wait3A_319] : memref<1000000x64xf32, #tpu.memory_space<hbm>> -> memref<1000000x64xf32, #tpu.memory_space<hbm>>
      tpu.wait_indirect_dma semaphore(%arg16 : memref<!tpu.dma_semaphore, #tpu.memory_space<semaphore_mem>>) src(%dma_wait3A_320 : memref<1000000x64xf32, #tpu.memory_space<hbm>>) dst(%arg8 : memref<128x64xf32, #tpu.memory_space<vmem>>)
      %mul3A_321 = arith.constant 128 : i32
      %mul3A_322 = arith.muli %add3A_296, %mul3A_321 : i32
      %add3A_323 = arith.addi %mul3A_2, %mul3A_322 : i32
      %add3A_324 = arith.constant 0 : i32
      %add3A_325 = vector.broadcast %add3A_324 : i32 to vector<16xi32>
      %add3A_326 = arith.addi %iota3A, %add3A_325 : vector<16xi32>
      %add3A_327 = arith.constant 0 : i32
      %add3A_328 = arith.addi %add3A_323, %add3A_327 : i32
      %add3A_329 = vector.broadcast %add3A_328 : i32 to vector<16xi32>
      %add3A_330 = arith.addi %iota3A, %add3A_329 : vector<16xi32>
      %rem3A_331 = arith.remsi %add3A_330, %broadcast_in_dim3A_27 : vector<16xi32>
      %convert_element_type3A_332 = arith.sitofp %rem3A_331 : vector<16xi32> to vector<16xf32>
      tpu.vector_store_idx %arg8[%add3A_326, %broadcast_in_dim3A_25], %convert_element_type3A_332 : memref<128x64xf32, #tpu.memory_space<vmem>>[vector<16xi32>, vector<16xi32>], vector<16xf32>,
      %add3A_333 = arith.constant 16 : i32
      %add3A_334 = vector.broadcast %add3A_333 : i32 to vector<16xi32>
      %add3A_335 = arith.addi %iota3A, %add3A_334 : vector<16xi32>
      %add3A_336 = arith.constant 16 : i32
      %add3A_337 = arith.addi %add3A_323, %add3A_336 : i32
      %add3A_338 = vector.broadcast %add3A_337 : i32 to vector<16xi32>
      %add3A_339 = arith.addi %iota3A, %add3A_338 : vector<16xi32>
      %rem3A_340 = arith.remsi %add3A_339, %broadcast_in_dim3A_27 : vector<16xi32>
      %convert_element_type3A_341 = arith.sitofp %rem3A_340 : vector<16xi32> to vector<16xf32>
      tpu.vector_store_idx %arg8[%add3A_335, %broadcast_in_dim3A_25], %convert_element_type3A_341 : memref<128x64xf32, #tpu.memory_space<vmem>>[vector<16xi32>, vector<16xi32>], vector<16xf32>,
      %add3A_342 = arith.constant 32 : i32
      %add3A_343 = vector.broadcast %add3A_342 : i32 to vector<16xi32>
      %add3A_344 = arith.addi %iota3A, %add3A_343 : vector<16xi32>
      %add3A_345 = arith.constant 32 : i32
      %add3A_346 = arith.addi %add3A_323, %add3A_345 : i32
      %add3A_347 = vector.broadcast %add3A_346 : i32 to vector<16xi32>
      %add3A_348 = arith.addi %iota3A, %add3A_347 : vector<16xi32>
      %rem3A_349 = arith.remsi %add3A_348, %broadcast_in_dim3A_27 : vector<16xi32>
      %convert_element_type3A_350 = arith.sitofp %rem3A_349 : vector<16xi32> to vector<16xf32>
      tpu.vector_store_idx %arg8[%add3A_344, %broadcast_in_dim3A_25], %convert_element_type3A_350 : memref<128x64xf32, #tpu.memory_space<vmem>>[vector<16xi32>, vector<16xi32>], vector<16xf32>,
      %add3A_351 = arith.constant 48 : i32
      %add3A_352 = vector.broadcast %add3A_351 : i32 to vector<16xi32>
      %add3A_353 = arith.addi %iota3A, %add3A_352 : vector<16xi32>
      %add3A_354 = arith.constant 48 : i32
      %add3A_355 = arith.addi %add3A_323, %add3A_354 : i32
      %add3A_356 = vector.broadcast %add3A_355 : i32 to vector<16xi32>
      %add3A_357 = arith.addi %iota3A, %add3A_356 : vector<16xi32>
      %rem3A_358 = arith.remsi %add3A_357, %broadcast_in_dim3A_27 : vector<16xi32>
      %convert_element_type3A_359 = arith.sitofp %rem3A_358 : vector<16xi32> to vector<16xf32>
      tpu.vector_store_idx %arg8[%add3A_353, %broadcast_in_dim3A_25], %convert_element_type3A_359 : memref<128x64xf32, #tpu.memory_space<vmem>>[vector<16xi32>, vector<16xi32>], vector<16xf32>,
      %add3A_360 = arith.constant 64 : i32
      %add3A_361 = vector.broadcast %add3A_360 : i32 to vector<16xi32>
      %add3A_362 = arith.addi %iota3A, %add3A_361 : vector<16xi32>
      %add3A_363 = arith.constant 64 : i32
      %add3A_364 = arith.addi %add3A_323, %add3A_363 : i32
      %add3A_365 = vector.broadcast %add3A_364 : i32 to vector<16xi32>
      %add3A_366 = arith.addi %iota3A, %add3A_365 : vector<16xi32>
      %rem3A_367 = arith.remsi %add3A_366, %broadcast_in_dim3A_27 : vector<16xi32>
      %convert_element_type3A_368 = arith.sitofp %rem3A_367 : vector<16xi32> to vector<16xf32>
      tpu.vector_store_idx %arg8[%add3A_362, %broadcast_in_dim3A_25], %convert_element_type3A_368 : memref<128x64xf32, #tpu.memory_space<vmem>>[vector<16xi32>, vector<16xi32>], vector<16xf32>,
      %add3A_369 = arith.constant 80 : i32
      %add3A_370 = vector.broadcast %add3A_369 : i32 to vector<16xi32>
      %add3A_371 = arith.addi %iota3A, %add3A_370 : vector<16xi32>
      %add3A_372 = arith.constant 80 : i32
      %add3A_373 = arith.addi %add3A_323, %add3A_372 : i32
      %add3A_374 = vector.broadcast %add3A_373 : i32 to vector<16xi32>
      %add3A_375 = arith.addi %iota3A, %add3A_374 : vector<16xi32>
      %rem3A_376 = arith.remsi %add3A_375, %broadcast_in_dim3A_27 : vector<16xi32>
      %convert_element_type3A_377 = arith.sitofp %rem3A_376 : vector<16xi32> to vector<16xf32>
      tpu.vector_store_idx %arg8[%add3A_371, %broadcast_in_dim3A_25], %convert_element_type3A_377 : memref<128x64xf32, #tpu.memory_space<vmem>>[vector<16xi32>, vector<16xi32>], vector<16xf32>,
      %add3A_378 = arith.constant 96 : i32
      %add3A_379 = vector.broadcast %add3A_378 : i32 to vector<16xi32>
      %add3A_380 = arith.addi %iota3A, %add3A_379 : vector<16xi32>
      %add3A_381 = arith.constant 96 : i32
      %add3A_382 = arith.addi %add3A_323, %add3A_381 : i32
      %add3A_383 = vector.broadcast %add3A_382 : i32 to vector<16xi32>
      %add3A_384 = arith.addi %iota3A, %add3A_383 : vector<16xi32>
      %rem3A_385 = arith.remsi %add3A_384, %broadcast_in_dim3A_27 : vector<16xi32>
      %convert_element_type3A_386 = arith.sitofp %rem3A_385 : vector<16xi32> to vector<16xf32>
      tpu.vector_store_idx %arg8[%add3A_380, %broadcast_in_dim3A_25], %convert_element_type3A_386 : memref<128x64xf32, #tpu.memory_space<vmem>>[vector<16xi32>, vector<16xi32>], vector<16xf32>,
      %add3A_387 = arith.constant 112 : i32
      %add3A_388 = vector.broadcast %add3A_387 : i32 to vector<16xi32>
      %add3A_389 = arith.addi %iota3A, %add3A_388 : vector<16xi32>
      %add3A_390 = arith.constant 112 : i32
      %add3A_391 = arith.addi %add3A_323, %add3A_390 : i32
      %add3A_392 = vector.broadcast %add3A_391 : i32 to vector<16xi32>
      %add3A_393 = arith.addi %iota3A, %add3A_392 : vector<16xi32>
      %rem3A_394 = arith.remsi %add3A_393, %broadcast_in_dim3A_27 : vector<16xi32>
      %convert_element_type3A_395 = arith.sitofp %rem3A_394 : vector<16xi32> to vector<16xf32>
      tpu.vector_store_idx %arg8[%add3A_389, %broadcast_in_dim3A_25], %convert_element_type3A_395 : memref<128x64xf32, #tpu.memory_space<vmem>>[vector<16xi32>, vector<16xi32>], vector<16xf32>,
      %mul3A_396 = arith.constant 128 : i32
      %mul3A_397 = arith.muli %add3A_296, %mul3A_396 : i32
      %add3A_398 = arith.addi %mul3A_2, %mul3A_397 : i32
      %dma_start3A_399 = arith.constant 0 : i32
      %dma_start3A_400 = tpu.memref_slice %arg4[%add3A_398, %dma_start3A_399] : memref<819200x64xf32, #tpu.memory_space<hbm>> -> memref<128x64xf32, #tpu.memory_space<hbm>>
      %dma_start3A_401 = arith.constant 0 : i32
      %dma_start3A_402 = tpu.memref_slice %arg4[%add3A_398, %dma_start3A_401] : memref<819200x64xf32, #tpu.memory_space<hbm>> -> memref<128x64xf32, #tpu.memory_space<hbm>>
      tpu.enqueue_dma source(%arg8 : memref<128x64xf32, #tpu.memory_space<vmem>>) target(%dma_start3A_402 : memref<128x64xf32, #tpu.memory_space<hbm>>) target_semaphore(%arg24 : memref<!tpu.dma_semaphore, #tpu.memory_space<semaphore_mem>>)
      %add3A_403 = arith.constant 3 : i32
      %add3A_404 = arith.addi %add3A_84, %add3A_403 : i32
      %add3A_405 = arith.constant 4 : i32
      %add3A_406 = arith.addi %add3A_404, %add3A_405 : i32
      %lt3A_407 = arith.constant 200 : i32
      %lt3A_408 = arith.cmpi slt, %add3A_406, %lt3A_407 : i32
      %ge3A_409 = arith.constant 8 : i32
      %ge3A_410 = arith.cmpi sge, %add3A_406, %ge3A_409 : i32
      %and3A_411 = arith.andi %lt3A_408, %ge3A_410 : i1
      %convert_element_type3A_412 = arith.extui %and3A_411 : i1 to i32
      %cond3A_413 = arith.constant 0 : i32
      %cond3A_414 = arith.cmpi ne, %convert_element_type3A_412, %cond3A_413 : i32
      scf.if %cond3A_414 {
        %sub3A = arith.constant 8 : i32
        %sub3A_943 = arith.subi %add3A_406, %sub3A : i32
        %mul3A_944 = arith.constant 128 : i32
        %mul3A_945 = arith.muli %sub3A_943, %mul3A_944 : i32
        %add3A_946 = arith.addi %mul3A_2, %mul3A_945 : i32
        %dma_wait3A_947 = arith.constant 0 : i32
        %dma_wait3A_948 = tpu.memref_slice %arg4[%add3A_946, %dma_wait3A_947] : memref<819200x64xf32, #tpu.memory_space<hbm>> -> memref<128x64xf32, #tpu.memory_space<hbm>>
        %dma_wait3A_949 = arith.constant 0 : i32
        %dma_wait3A_950 = tpu.memref_slice %arg4[%add3A_946, %dma_wait3A_949] : memref<819200x64xf32, #tpu.memory_space<hbm>> -> memref<128x64xf32, #tpu.memory_space<hbm>>
        tpu.wait_dma2 semaphore(%arg29 : memref<!tpu.dma_semaphore, #tpu.memory_space<semaphore_mem>>) src(%arg13 : memref<128x64xf32, #tpu.memory_space<vmem>>) dst(%dma_wait3A_950 : memref<128x64xf32, #tpu.memory_space<hbm>>)
        %mul3A_951 = arith.constant 128 : i32
        %mul3A_952 = arith.muli %add3A_406, %mul3A_951 : i32
        %dma_start3A_953 = tpu.memref_slice %arg5[%mul3A_952] : memref<25600xi32, #tpu.memory_space<vmem>> -> memref<128xi32, #tpu.memory_space<vmem>>
        %dma_start3A_954 = arith.constant 0 : i32
        %dma_start3A_955 = arith.constant 0 : i32
        %dma_start3A_956 = tpu.memref_slice %arg2[%dma_start3A_954, %dma_start3A_955] : memref<1000000x64xf32, #tpu.memory_space<hbm>> -> memref<1000000x64xf32, #tpu.memory_space<hbm>>
        tpu.enqueue_indirect_dma source(%dma_start3A_956 : memref<1000000x64xf32, #tpu.memory_space<hbm>>) target(%arg13 : memref<128x64xf32, #tpu.memory_space<vmem>>) offsets(%dma_start3A_953 : memref<128xi32, #tpu.memory_space<vmem>>) semaphore(%arg21 : memref<!tpu.dma_semaphore, #tpu.memory_space<semaphore_mem>>)
      } else {
      }
      %lt3A_415 = arith.constant 200 : i32
      %lt3A_416 = arith.cmpi slt, %add3A_406, %lt3A_415 : i32
      %lt3A_417 = arith.constant 8 : i32
      %lt3A_418 = arith.cmpi slt, %add3A_406, %lt3A_417 : i32
      %and3A_419 = arith.andi %lt3A_416, %lt3A_418 : i1
      %convert_element_type3A_420 = arith.extui %and3A_419 : i1 to i32
      %cond3A_421 = arith.constant 0 : i32
      %cond3A_422 = arith.cmpi ne, %convert_element_type3A_420, %cond3A_421 : i32
      scf.if %cond3A_422 {
        %mul3A_943 = arith.constant 128 : i32
        %mul3A_944 = arith.muli %add3A_406, %mul3A_943 : i32
        %dma_start3A_945 = tpu.memref_slice %arg5[%mul3A_944] : memref<25600xi32, #tpu.memory_space<vmem>> -> memref<128xi32, #tpu.memory_space<vmem>>
        %dma_start3A_946 = arith.constant 0 : i32
        %dma_start3A_947 = arith.constant 0 : i32
        %dma_start3A_948 = tpu.memref_slice %arg2[%dma_start3A_946, %dma_start3A_947] : memref<1000000x64xf32, #tpu.memory_space<hbm>> -> memref<1000000x64xf32, #tpu.memory_space<hbm>>
        tpu.enqueue_indirect_dma source(%dma_start3A_948 : memref<1000000x64xf32, #tpu.memory_space<hbm>>) target(%arg13 : memref<128x64xf32, #tpu.memory_space<vmem>>) offsets(%dma_start3A_945 : memref<128xi32, #tpu.memory_space<vmem>>) semaphore(%arg21 : memref<!tpu.dma_semaphore, #tpu.memory_space<semaphore_mem>>)
      } else {
      }
      %mul3A_423 = arith.constant 128 : i32
      %mul3A_424 = arith.muli %add3A_404, %mul3A_423 : i32
      %dma_wait3A_425 = tpu.memref_slice %arg5[%mul3A_424] : memref<25600xi32, #tpu.memory_space<vmem>> -> memref<128xi32, #tpu.memory_space<vmem>>
      %dma_wait3A_426 = arith.constant 0 : i32
      %dma_wait3A_427 = arith.constant 0 : i32
      %dma_wait3A_428 = tpu.memref_slice %arg2[%dma_wait3A_426, %dma_wait3A_427] : memref<1000000x64xf32, #tpu.memory_space<hbm>> -> memref<1000000x64xf32, #tpu.memory_space<hbm>>
      tpu.wait_indirect_dma semaphore(%arg17 : memref<!tpu.dma_semaphore, #tpu.memory_space<semaphore_mem>>) src(%dma_wait3A_428 : memref<1000000x64xf32, #tpu.memory_space<hbm>>) dst(%arg9 : memref<128x64xf32, #tpu.memory_space<vmem>>)
      %mul3A_429 = arith.constant 128 : i32
      %mul3A_430 = arith.muli %add3A_404, %mul3A_429 : i32
      %add3A_431 = arith.addi %mul3A_2, %mul3A_430 : i32
      %add3A_432 = arith.constant 0 : i32
      %add3A_433 = vector.broadcast %add3A_432 : i32 to vector<16xi32>
      %add3A_434 = arith.addi %iota3A, %add3A_433 : vector<16xi32>
      %add3A_435 = arith.constant 0 : i32
      %add3A_436 = arith.addi %add3A_431, %add3A_435 : i32
      %add3A_437 = vector.broadcast %add3A_436 : i32 to vector<16xi32>
      %add3A_438 = arith.addi %iota3A, %add3A_437 : vector<16xi32>
      %rem3A_439 = arith.remsi %add3A_438, %broadcast_in_dim3A_27 : vector<16xi32>
      %convert_element_type3A_440 = arith.sitofp %rem3A_439 : vector<16xi32> to vector<16xf32>
      tpu.vector_store_idx %arg9[%add3A_434, %broadcast_in_dim3A_25], %convert_element_type3A_440 : memref<128x64xf32, #tpu.memory_space<vmem>>[vector<16xi32>, vector<16xi32>], vector<16xf32>,
      %add3A_441 = arith.constant 16 : i32
      %add3A_442 = vector.broadcast %add3A_441 : i32 to vector<16xi32>
      %add3A_443 = arith.addi %iota3A, %add3A_442 : vector<16xi32>
      %add3A_444 = arith.constant 16 : i32
      %add3A_445 = arith.addi %add3A_431, %add3A_444 : i32
      %add3A_446 = vector.broadcast %add3A_445 : i32 to vector<16xi32>
      %add3A_447 = arith.addi %iota3A, %add3A_446 : vector<16xi32>
      %rem3A_448 = arith.remsi %add3A_447, %broadcast_in_dim3A_27 : vector<16xi32>
      %convert_element_type3A_449 = arith.sitofp %rem3A_448 : vector<16xi32> to vector<16xf32>
      tpu.vector_store_idx %arg9[%add3A_443, %broadcast_in_dim3A_25], %convert_element_type3A_449 : memref<128x64xf32, #tpu.memory_space<vmem>>[vector<16xi32>, vector<16xi32>], vector<16xf32>,
      %add3A_450 = arith.constant 32 : i32
      %add3A_451 = vector.broadcast %add3A_450 : i32 to vector<16xi32>
      %add3A_452 = arith.addi %iota3A, %add3A_451 : vector<16xi32>
      %add3A_453 = arith.constant 32 : i32
      %add3A_454 = arith.addi %add3A_431, %add3A_453 : i32
      %add3A_455 = vector.broadcast %add3A_454 : i32 to vector<16xi32>
      %add3A_456 = arith.addi %iota3A, %add3A_455 : vector<16xi32>
      %rem3A_457 = arith.remsi %add3A_456, %broadcast_in_dim3A_27 : vector<16xi32>
      %convert_element_type3A_458 = arith.sitofp %rem3A_457 : vector<16xi32> to vector<16xf32>
      tpu.vector_store_idx %arg9[%add3A_452, %broadcast_in_dim3A_25], %convert_element_type3A_458 : memref<128x64xf32, #tpu.memory_space<vmem>>[vector<16xi32>, vector<16xi32>], vector<16xf32>,
      %add3A_459 = arith.constant 48 : i32
      %add3A_460 = vector.broadcast %add3A_459 : i32 to vector<16xi32>
      %add3A_461 = arith.addi %iota3A, %add3A_460 : vector<16xi32>
      %add3A_462 = arith.constant 48 : i32
      %add3A_463 = arith.addi %add3A_431, %add3A_462 : i32
      %add3A_464 = vector.broadcast %add3A_463 : i32 to vector<16xi32>
      %add3A_465 = arith.addi %iota3A, %add3A_464 : vector<16xi32>
      %rem3A_466 = arith.remsi %add3A_465, %broadcast_in_dim3A_27 : vector<16xi32>
      %convert_element_type3A_467 = arith.sitofp %rem3A_466 : vector<16xi32> to vector<16xf32>
      tpu.vector_store_idx %arg9[%add3A_461, %broadcast_in_dim3A_25], %convert_element_type3A_467 : memref<128x64xf32, #tpu.memory_space<vmem>>[vector<16xi32>, vector<16xi32>], vector<16xf32>,
      %add3A_468 = arith.constant 64 : i32
      %add3A_469 = vector.broadcast %add3A_468 : i32 to vector<16xi32>
      %add3A_470 = arith.addi %iota3A, %add3A_469 : vector<16xi32>
      %add3A_471 = arith.constant 64 : i32
      %add3A_472 = arith.addi %add3A_431, %add3A_471 : i32
      %add3A_473 = vector.broadcast %add3A_472 : i32 to vector<16xi32>
      %add3A_474 = arith.addi %iota3A, %add3A_473 : vector<16xi32>
      %rem3A_475 = arith.remsi %add3A_474, %broadcast_in_dim3A_27 : vector<16xi32>
      %convert_element_type3A_476 = arith.sitofp %rem3A_475 : vector<16xi32> to vector<16xf32>
      tpu.vector_store_idx %arg9[%add3A_470, %broadcast_in_dim3A_25], %convert_element_type3A_476 : memref<128x64xf32, #tpu.memory_space<vmem>>[vector<16xi32>, vector<16xi32>], vector<16xf32>,
      %add3A_477 = arith.constant 80 : i32
      %add3A_478 = vector.broadcast %add3A_477 : i32 to vector<16xi32>
      %add3A_479 = arith.addi %iota3A, %add3A_478 : vector<16xi32>
      %add3A_480 = arith.constant 80 : i32
      %add3A_481 = arith.addi %add3A_431, %add3A_480 : i32
      %add3A_482 = vector.broadcast %add3A_481 : i32 to vector<16xi32>
      %add3A_483 = arith.addi %iota3A, %add3A_482 : vector<16xi32>
      %rem3A_484 = arith.remsi %add3A_483, %broadcast_in_dim3A_27 : vector<16xi32>
      %convert_element_type3A_485 = arith.sitofp %rem3A_484 : vector<16xi32> to vector<16xf32>
      tpu.vector_store_idx %arg9[%add3A_479, %broadcast_in_dim3A_25], %convert_element_type3A_485 : memref<128x64xf32, #tpu.memory_space<vmem>>[vector<16xi32>, vector<16xi32>], vector<16xf32>,
      %add3A_486 = arith.constant 96 : i32
      %add3A_487 = vector.broadcast %add3A_486 : i32 to vector<16xi32>
      %add3A_488 = arith.addi %iota3A, %add3A_487 : vector<16xi32>
      %add3A_489 = arith.constant 96 : i32
      %add3A_490 = arith.addi %add3A_431, %add3A_489 : i32
      %add3A_491 = vector.broadcast %add3A_490 : i32 to vector<16xi32>
      %add3A_492 = arith.addi %iota3A, %add3A_491 : vector<16xi32>
      %rem3A_493 = arith.remsi %add3A_492, %broadcast_in_dim3A_27 : vector<16xi32>
      %convert_element_type3A_494 = arith.sitofp %rem3A_493 : vector<16xi32> to vector<16xf32>
      tpu.vector_store_idx %arg9[%add3A_488, %broadcast_in_dim3A_25], %convert_element_type3A_494 : memref<128x64xf32, #tpu.memory_space<vmem>>[vector<16xi32>, vector<16xi32>], vector<16xf32>,
      %add3A_495 = arith.constant 112 : i32
      %add3A_496 = vector.broadcast %add3A_495 : i32 to vector<16xi32>
      %add3A_497 = arith.addi %iota3A, %add3A_496 : vector<16xi32>
      %add3A_498 = arith.constant 112 : i32
      %add3A_499 = arith.addi %add3A_431, %add3A_498 : i32
      %add3A_500 = vector.broadcast %add3A_499 : i32 to vector<16xi32>
      %add3A_501 = arith.addi %iota3A, %add3A_500 : vector<16xi32>
      %rem3A_502 = arith.remsi %add3A_501, %broadcast_in_dim3A_27 : vector<16xi32>
      %convert_element_type3A_503 = arith.sitofp %rem3A_502 : vector<16xi32> to vector<16xf32>
      tpu.vector_store_idx %arg9[%add3A_497, %broadcast_in_dim3A_25], %convert_element_type3A_503 : memref<128x64xf32, #tpu.memory_space<vmem>>[vector<16xi32>, vector<16xi32>], vector<16xf32>,
      %mul3A_504 = arith.constant 128 : i32
      %mul3A_505 = arith.muli %add3A_404, %mul3A_504 : i32
      %add3A_506 = arith.addi %mul3A_2, %mul3A_505 : i32
      %dma_start3A_507 = arith.constant 0 : i32
      %dma_start3A_508 = tpu.memref_slice %arg4[%add3A_506, %dma_start3A_507] : memref<819200x64xf32, #tpu.memory_space<hbm>> -> memref<128x64xf32, #tpu.memory_space<hbm>>
      %dma_start3A_509 = arith.constant 0 : i32
      %dma_start3A_510 = tpu.memref_slice %arg4[%add3A_506, %dma_start3A_509] : memref<819200x64xf32, #tpu.memory_space<hbm>> -> memref<128x64xf32, #tpu.memory_space<hbm>>
      tpu.enqueue_dma source(%arg9 : memref<128x64xf32, #tpu.memory_space<vmem>>) target(%dma_start3A_510 : memref<128x64xf32, #tpu.memory_space<hbm>>) target_semaphore(%arg25 : memref<!tpu.dma_semaphore, #tpu.memory_space<semaphore_mem>>)
      %add3A_511 = arith.constant 4 : i32
      %add3A_512 = arith.addi %add3A_84, %add3A_511 : i32
      %add3A_513 = arith.constant 4 : i32
      %add3A_514 = arith.addi %add3A_512, %add3A_513 : i32
      %lt3A_515 = arith.constant 200 : i32
      %lt3A_516 = arith.cmpi slt, %add3A_514, %lt3A_515 : i32
      %ge3A_517 = arith.constant 8 : i32
      %ge3A_518 = arith.cmpi sge, %add3A_514, %ge3A_517 : i32
      %and3A_519 = arith.andi %lt3A_516, %ge3A_518 : i1
      %convert_element_type3A_520 = arith.extui %and3A_519 : i1 to i32
      %cond3A_521 = arith.constant 0 : i32
      %cond3A_522 = arith.cmpi ne, %convert_element_type3A_520, %cond3A_521 : i32
      scf.if %cond3A_522 {
        %sub3A = arith.constant 8 : i32
        %sub3A_943 = arith.subi %add3A_514, %sub3A : i32
        %mul3A_944 = arith.constant 128 : i32
        %mul3A_945 = arith.muli %sub3A_943, %mul3A_944 : i32
        %add3A_946 = arith.addi %mul3A_2, %mul3A_945 : i32
        %dma_wait3A_947 = arith.constant 0 : i32
        %dma_wait3A_948 = tpu.memref_slice %arg4[%add3A_946, %dma_wait3A_947] : memref<819200x64xf32, #tpu.memory_space<hbm>> -> memref<128x64xf32, #tpu.memory_space<hbm>>
        %dma_wait3A_949 = arith.constant 0 : i32
        %dma_wait3A_950 = tpu.memref_slice %arg4[%add3A_946, %dma_wait3A_949] : memref<819200x64xf32, #tpu.memory_space<hbm>> -> memref<128x64xf32, #tpu.memory_space<hbm>>
        tpu.wait_dma2 semaphore(%arg22 : memref<!tpu.dma_semaphore, #tpu.memory_space<semaphore_mem>>) src(%arg6 : memref<128x64xf32, #tpu.memory_space<vmem>>) dst(%dma_wait3A_950 : memref<128x64xf32, #tpu.memory_space<hbm>>)
        %mul3A_951 = arith.constant 128 : i32
        %mul3A_952 = arith.muli %add3A_514, %mul3A_951 : i32
        %dma_start3A_953 = tpu.memref_slice %arg5[%mul3A_952] : memref<25600xi32, #tpu.memory_space<vmem>> -> memref<128xi32, #tpu.memory_space<vmem>>
        %dma_start3A_954 = arith.constant 0 : i32
        %dma_start3A_955 = arith.constant 0 : i32
        %dma_start3A_956 = tpu.memref_slice %arg2[%dma_start3A_954, %dma_start3A_955] : memref<1000000x64xf32, #tpu.memory_space<hbm>> -> memref<1000000x64xf32, #tpu.memory_space<hbm>>
        tpu.enqueue_indirect_dma source(%dma_start3A_956 : memref<1000000x64xf32, #tpu.memory_space<hbm>>) target(%arg6 : memref<128x64xf32, #tpu.memory_space<vmem>>) offsets(%dma_start3A_953 : memref<128xi32, #tpu.memory_space<vmem>>) semaphore(%arg14 : memref<!tpu.dma_semaphore, #tpu.memory_space<semaphore_mem>>)
      } else {
      }
      %lt3A_523 = arith.constant 200 : i32
      %lt3A_524 = arith.cmpi slt, %add3A_514, %lt3A_523 : i32
      %lt3A_525 = arith.constant 8 : i32
      %lt3A_526 = arith.cmpi slt, %add3A_514, %lt3A_525 : i32
      %and3A_527 = arith.andi %lt3A_524, %lt3A_526 : i1
      %convert_element_type3A_528 = arith.extui %and3A_527 : i1 to i32
      %cond3A_529 = arith.constant 0 : i32
      %cond3A_530 = arith.cmpi ne, %convert_element_type3A_528, %cond3A_529 : i32
      scf.if %cond3A_530 {
        %mul3A_943 = arith.constant 128 : i32
        %mul3A_944 = arith.muli %add3A_514, %mul3A_943 : i32
        %dma_start3A_945 = tpu.memref_slice %arg5[%mul3A_944] : memref<25600xi32, #tpu.memory_space<vmem>> -> memref<128xi32, #tpu.memory_space<vmem>>
        %dma_start3A_946 = arith.constant 0 : i32
        %dma_start3A_947 = arith.constant 0 : i32
        %dma_start3A_948 = tpu.memref_slice %arg2[%dma_start3A_946, %dma_start3A_947] : memref<1000000x64xf32, #tpu.memory_space<hbm>> -> memref<1000000x64xf32, #tpu.memory_space<hbm>>
        tpu.enqueue_indirect_dma source(%dma_start3A_948 : memref<1000000x64xf32, #tpu.memory_space<hbm>>) target(%arg6 : memref<128x64xf32, #tpu.memory_space<vmem>>) offsets(%dma_start3A_945 : memref<128xi32, #tpu.memory_space<vmem>>) semaphore(%arg14 : memref<!tpu.dma_semaphore, #tpu.memory_space<semaphore_mem>>)
      } else {
      }
      %mul3A_531 = arith.constant 128 : i32
      %mul3A_532 = arith.muli %add3A_512, %mul3A_531 : i32
      %dma_wait3A_533 = tpu.memref_slice %arg5[%mul3A_532] : memref<25600xi32, #tpu.memory_space<vmem>> -> memref<128xi32, #tpu.memory_space<vmem>>
      %dma_wait3A_534 = arith.constant 0 : i32
      %dma_wait3A_535 = arith.constant 0 : i32
      %dma_wait3A_536 = tpu.memref_slice %arg2[%dma_wait3A_534, %dma_wait3A_535] : memref<1000000x64xf32, #tpu.memory_space<hbm>> -> memref<1000000x64xf32, #tpu.memory_space<hbm>>
      tpu.wait_indirect_dma semaphore(%arg18 : memref<!tpu.dma_semaphore, #tpu.memory_space<semaphore_mem>>) src(%dma_wait3A_536 : memref<1000000x64xf32, #tpu.memory_space<hbm>>) dst(%arg10 : memref<128x64xf32, #tpu.memory_space<vmem>>)
      %mul3A_537 = arith.constant 128 : i32
      %mul3A_538 = arith.muli %add3A_512, %mul3A_537 : i32
      %add3A_539 = arith.addi %mul3A_2, %mul3A_538 : i32
      %add3A_540 = arith.constant 0 : i32
      %add3A_541 = vector.broadcast %add3A_540 : i32 to vector<16xi32>
      %add3A_542 = arith.addi %iota3A, %add3A_541 : vector<16xi32>
      %add3A_543 = arith.constant 0 : i32
      %add3A_544 = arith.addi %add3A_539, %add3A_543 : i32
      %add3A_545 = vector.broadcast %add3A_544 : i32 to vector<16xi32>
      %add3A_546 = arith.addi %iota3A, %add3A_545 : vector<16xi32>
      %rem3A_547 = arith.remsi %add3A_546, %broadcast_in_dim3A_27 : vector<16xi32>
      %convert_element_type3A_548 = arith.sitofp %rem3A_547 : vector<16xi32> to vector<16xf32>
      tpu.vector_store_idx %arg10[%add3A_542, %broadcast_in_dim3A_25], %convert_element_type3A_548 : memref<128x64xf32, #tpu.memory_space<vmem>>[vector<16xi32>, vector<16xi32>], vector<16xf32>,
      %add3A_549 = arith.constant 16 : i32
      %add3A_550 = vector.broadcast %add3A_549 : i32 to vector<16xi32>
      %add3A_551 = arith.addi %iota3A, %add3A_550 : vector<16xi32>
      %add3A_552 = arith.constant 16 : i32
      %add3A_553 = arith.addi %add3A_539, %add3A_552 : i32
      %add3A_554 = vector.broadcast %add3A_553 : i32 to vector<16xi32>
      %add3A_555 = arith.addi %iota3A, %add3A_554 : vector<16xi32>
      %rem3A_556 = arith.remsi %add3A_555, %broadcast_in_dim3A_27 : vector<16xi32>
      %convert_element_type3A_557 = arith.sitofp %rem3A_556 : vector<16xi32> to vector<16xf32>
      tpu.vector_store_idx %arg10[%add3A_551, %broadcast_in_dim3A_25], %convert_element_type3A_557 : memref<128x64xf32, #tpu.memory_space<vmem>>[vector<16xi32>, vector<16xi32>], vector<16xf32>,
      %add3A_558 = arith.constant 32 : i32
      %add3A_559 = vector.broadcast %add3A_558 : i32 to vector<16xi32>
      %add3A_560 = arith.addi %iota3A, %add3A_559 : vector<16xi32>
      %add3A_561 = arith.constant 32 : i32
      %add3A_562 = arith.addi %add3A_539, %add3A_561 : i32
      %add3A_563 = vector.broadcast %add3A_562 : i32 to vector<16xi32>
      %add3A_564 = arith.addi %iota3A, %add3A_563 : vector<16xi32>
      %rem3A_565 = arith.remsi %add3A_564, %broadcast_in_dim3A_27 : vector<16xi32>
      %convert_element_type3A_566 = arith.sitofp %rem3A_565 : vector<16xi32> to vector<16xf32>
      tpu.vector_store_idx %arg10[%add3A_560, %broadcast_in_dim3A_25], %convert_element_type3A_566 : memref<128x64xf32, #tpu.memory_space<vmem>>[vector<16xi32>, vector<16xi32>], vector<16xf32>,
      %add3A_567 = arith.constant 48 : i32
      %add3A_568 = vector.broadcast %add3A_567 : i32 to vector<16xi32>
      %add3A_569 = arith.addi %iota3A, %add3A_568 : vector<16xi32>
      %add3A_570 = arith.constant 48 : i32
      %add3A_571 = arith.addi %add3A_539, %add3A_570 : i32
      %add3A_572 = vector.broadcast %add3A_571 : i32 to vector<16xi32>
      %add3A_573 = arith.addi %iota3A, %add3A_572 : vector<16xi32>
      %rem3A_574 = arith.remsi %add3A_573, %broadcast_in_dim3A_27 : vector<16xi32>
      %convert_element_type3A_575 = arith.sitofp %rem3A_574 : vector<16xi32> to vector<16xf32>
      tpu.vector_store_idx %arg10[%add3A_569, %broadcast_in_dim3A_25], %convert_element_type3A_575 : memref<128x64xf32, #tpu.memory_space<vmem>>[vector<16xi32>, vector<16xi32>], vector<16xf32>,
      %add3A_576 = arith.constant 64 : i32
      %add3A_577 = vector.broadcast %add3A_576 : i32 to vector<16xi32>
      %add3A_578 = arith.addi %iota3A, %add3A_577 : vector<16xi32>
      %add3A_579 = arith.constant 64 : i32
      %add3A_580 = arith.addi %add3A_539, %add3A_579 : i32
      %add3A_581 = vector.broadcast %add3A_580 : i32 to vector<16xi32>
      %add3A_582 = arith.addi %iota3A, %add3A_581 : vector<16xi32>
      %rem3A_583 = arith.remsi %add3A_582, %broadcast_in_dim3A_27 : vector<16xi32>
      %convert_element_type3A_584 = arith.sitofp %rem3A_583 : vector<16xi32> to vector<16xf32>
      tpu.vector_store_idx %arg10[%add3A_578, %broadcast_in_dim3A_25], %convert_element_type3A_584 : memref<128x64xf32, #tpu.memory_space<vmem>>[vector<16xi32>, vector<16xi32>], vector<16xf32>,
      %add3A_585 = arith.constant 80 : i32
      %add3A_586 = vector.broadcast %add3A_585 : i32 to vector<16xi32>
      %add3A_587 = arith.addi %iota3A, %add3A_586 : vector<16xi32>
      %add3A_588 = arith.constant 80 : i32
      %add3A_589 = arith.addi %add3A_539, %add3A_588 : i32
      %add3A_590 = vector.broadcast %add3A_589 : i32 to vector<16xi32>
      %add3A_591 = arith.addi %iota3A, %add3A_590 : vector<16xi32>
      %rem3A_592 = arith.remsi %add3A_591, %broadcast_in_dim3A_27 : vector<16xi32>
      %convert_element_type3A_593 = arith.sitofp %rem3A_592 : vector<16xi32> to vector<16xf32>
      tpu.vector_store_idx %arg10[%add3A_587, %broadcast_in_dim3A_25], %convert_element_type3A_593 : memref<128x64xf32, #tpu.memory_space<vmem>>[vector<16xi32>, vector<16xi32>], vector<16xf32>,
      %add3A_594 = arith.constant 96 : i32
      %add3A_595 = vector.broadcast %add3A_594 : i32 to vector<16xi32>
      %add3A_596 = arith.addi %iota3A, %add3A_595 : vector<16xi32>
      %add3A_597 = arith.constant 96 : i32
      %add3A_598 = arith.addi %add3A_539, %add3A_597 : i32
      %add3A_599 = vector.broadcast %add3A_598 : i32 to vector<16xi32>
      %add3A_600 = arith.addi %iota3A, %add3A_599 : vector<16xi32>
      %rem3A_601 = arith.remsi %add3A_600, %broadcast_in_dim3A_27 : vector<16xi32>
      %convert_element_type3A_602 = arith.sitofp %rem3A_601 : vector<16xi32> to vector<16xf32>
      tpu.vector_store_idx %arg10[%add3A_596, %broadcast_in_dim3A_25], %convert_element_type3A_602 : memref<128x64xf32, #tpu.memory_space<vmem>>[vector<16xi32>, vector<16xi32>], vector<16xf32>,
      %add3A_603 = arith.constant 112 : i32
      %add3A_604 = vector.broadcast %add3A_603 : i32 to vector<16xi32>
      %add3A_605 = arith.addi %iota3A, %add3A_604 : vector<16xi32>
      %add3A_606 = arith.constant 112 : i32
      %add3A_607 = arith.addi %add3A_539, %add3A_606 : i32
      %add3A_608 = vector.broadcast %add3A_607 : i32 to vector<16xi32>
      %add3A_609 = arith.addi %iota3A, %add3A_608 : vector<16xi32>
      %rem3A_610 = arith.remsi %add3A_609, %broadcast_in_dim3A_27 : vector<16xi32>
      %convert_element_type3A_611 = arith.sitofp %rem3A_610 : vector<16xi32> to vector<16xf32>
      tpu.vector_store_idx %arg10[%add3A_605, %broadcast_in_dim3A_25], %convert_element_type3A_611 : memref<128x64xf32, #tpu.memory_space<vmem>>[vector<16xi32>, vector<16xi32>], vector<16xf32>,
      %mul3A_612 = arith.constant 128 : i32
      %mul3A_613 = arith.muli %add3A_512, %mul3A_612 : i32
      %add3A_614 = arith.addi %mul3A_2, %mul3A_613 : i32
      %dma_start3A_615 = arith.constant 0 : i32
      %dma_start3A_616 = tpu.memref_slice %arg4[%add3A_614, %dma_start3A_615] : memref<819200x64xf32, #tpu.memory_space<hbm>> -> memref<128x64xf32, #tpu.memory_space<hbm>>
      %dma_start3A_617 = arith.constant 0 : i32
      %dma_start3A_618 = tpu.memref_slice %arg4[%add3A_614, %dma_start3A_617] : memref<819200x64xf32, #tpu.memory_space<hbm>> -> memref<128x64xf32, #tpu.memory_space<hbm>>
      tpu.enqueue_dma source(%arg10 : memref<128x64xf32, #tpu.memory_space<vmem>>) target(%dma_start3A_618 : memref<128x64xf32, #tpu.memory_space<hbm>>) target_semaphore(%arg26 : memref<!tpu.dma_semaphore, #tpu.memory_space<semaphore_mem>>)
      %add3A_619 = arith.constant 5 : i32
      %add3A_620 = arith.addi %add3A_84, %add3A_619 : i32
      %add3A_621 = arith.constant 4 : i32
      %add3A_622 = arith.addi %add3A_620, %add3A_621 : i32
      %lt3A_623 = arith.constant 200 : i32
      %lt3A_624 = arith.cmpi slt, %add3A_622, %lt3A_623 : i32
      %ge3A_625 = arith.constant 8 : i32
      %ge3A_626 = arith.cmpi sge, %add3A_622, %ge3A_625 : i32
      %and3A_627 = arith.andi %lt3A_624, %ge3A_626 : i1
      %convert_element_type3A_628 = arith.extui %and3A_627 : i1 to i32
      %cond3A_629 = arith.constant 0 : i32
      %cond3A_630 = arith.cmpi ne, %convert_element_type3A_628, %cond3A_629 : i32
      scf.if %cond3A_630 {
        %sub3A = arith.constant 8 : i32
        %sub3A_943 = arith.subi %add3A_622, %sub3A : i32
        %mul3A_944 = arith.constant 128 : i32
        %mul3A_945 = arith.muli %sub3A_943, %mul3A_944 : i32
        %add3A_946 = arith.addi %mul3A_2, %mul3A_945 : i32
        %dma_wait3A_947 = arith.constant 0 : i32
        %dma_wait3A_948 = tpu.memref_slice %arg4[%add3A_946, %dma_wait3A_947] : memref<819200x64xf32, #tpu.memory_space<hbm>> -> memref<128x64xf32, #tpu.memory_space<hbm>>
        %dma_wait3A_949 = arith.constant 0 : i32
        %dma_wait3A_950 = tpu.memref_slice %arg4[%add3A_946, %dma_wait3A_949] : memref<819200x64xf32, #tpu.memory_space<hbm>> -> memref<128x64xf32, #tpu.memory_space<hbm>>
        tpu.wait_dma2 semaphore(%arg23 : memref<!tpu.dma_semaphore, #tpu.memory_space<semaphore_mem>>) src(%arg7 : memref<128x64xf32, #tpu.memory_space<vmem>>) dst(%dma_wait3A_950 : memref<128x64xf32, #tpu.memory_space<hbm>>)
        %mul3A_951 = arith.constant 128 : i32
        %mul3A_952 = arith.muli %add3A_622, %mul3A_951 : i32
        %dma_start3A_953 = tpu.memref_slice %arg5[%mul3A_952] : memref<25600xi32, #tpu.memory_space<vmem>> -> memref<128xi32, #tpu.memory_space<vmem>>
        %dma_start3A_954 = arith.constant 0 : i32
        %dma_start3A_955 = arith.constant 0 : i32
        %dma_start3A_956 = tpu.memref_slice %arg2[%dma_start3A_954, %dma_start3A_955] : memref<1000000x64xf32, #tpu.memory_space<hbm>> -> memref<1000000x64xf32, #tpu.memory_space<hbm>>
        tpu.enqueue_indirect_dma source(%dma_start3A_956 : memref<1000000x64xf32, #tpu.memory_space<hbm>>) target(%arg7 : memref<128x64xf32, #tpu.memory_space<vmem>>) offsets(%dma_start3A_953 : memref<128xi32, #tpu.memory_space<vmem>>) semaphore(%arg15 : memref<!tpu.dma_semaphore, #tpu.memory_space<semaphore_mem>>)
      } else {
      }
      %lt3A_631 = arith.constant 200 : i32
      %lt3A_632 = arith.cmpi slt, %add3A_622, %lt3A_631 : i32
      %lt3A_633 = arith.constant 8 : i32
      %lt3A_634 = arith.cmpi slt, %add3A_622, %lt3A_633 : i32
      %and3A_635 = arith.andi %lt3A_632, %lt3A_634 : i1
      %convert_element_type3A_636 = arith.extui %and3A_635 : i1 to i32
      %cond3A_637 = arith.constant 0 : i32
      %cond3A_638 = arith.cmpi ne, %convert_element_type3A_636, %cond3A_637 : i32
      scf.if %cond3A_638 {
        %mul3A_943 = arith.constant 128 : i32
        %mul3A_944 = arith.muli %add3A_622, %mul3A_943 : i32
        %dma_start3A_945 = tpu.memref_slice %arg5[%mul3A_944] : memref<25600xi32, #tpu.memory_space<vmem>> -> memref<128xi32, #tpu.memory_space<vmem>>
        %dma_start3A_946 = arith.constant 0 : i32
        %dma_start3A_947 = arith.constant 0 : i32
        %dma_start3A_948 = tpu.memref_slice %arg2[%dma_start3A_946, %dma_start3A_947] : memref<1000000x64xf32, #tpu.memory_space<hbm>> -> memref<1000000x64xf32, #tpu.memory_space<hbm>>
        tpu.enqueue_indirect_dma source(%dma_start3A_948 : memref<1000000x64xf32, #tpu.memory_space<hbm>>) target(%arg7 : memref<128x64xf32, #tpu.memory_space<vmem>>) offsets(%dma_start3A_945 : memref<128xi32, #tpu.memory_space<vmem>>) semaphore(%arg15 : memref<!tpu.dma_semaphore, #tpu.memory_space<semaphore_mem>>)
      } else {
      }
      %mul3A_639 = arith.constant 128 : i32
      %mul3A_640 = arith.muli %add3A_620, %mul3A_639 : i32
      %dma_wait3A_641 = tpu.memref_slice %arg5[%mul3A_640] : memref<25600xi32, #tpu.memory_space<vmem>> -> memref<128xi32, #tpu.memory_space<vmem>>
      %dma_wait3A_642 = arith.constant 0 : i32
      %dma_wait3A_643 = arith.constant 0 : i32
      %dma_wait3A_644 = tpu.memref_slice %arg2[%dma_wait3A_642, %dma_wait3A_643] : memref<1000000x64xf32, #tpu.memory_space<hbm>> -> memref<1000000x64xf32, #tpu.memory_space<hbm>>
      tpu.wait_indirect_dma semaphore(%arg19 : memref<!tpu.dma_semaphore, #tpu.memory_space<semaphore_mem>>) src(%dma_wait3A_644 : memref<1000000x64xf32, #tpu.memory_space<hbm>>) dst(%arg11 : memref<128x64xf32, #tpu.memory_space<vmem>>)
      %mul3A_645 = arith.constant 128 : i32
      %mul3A_646 = arith.muli %add3A_620, %mul3A_645 : i32
      %add3A_647 = arith.addi %mul3A_2, %mul3A_646 : i32
      %add3A_648 = arith.constant 0 : i32
      %add3A_649 = vector.broadcast %add3A_648 : i32 to vector<16xi32>
      %add3A_650 = arith.addi %iota3A, %add3A_649 : vector<16xi32>
      %add3A_651 = arith.constant 0 : i32
      %add3A_652 = arith.addi %add3A_647, %add3A_651 : i32
      %add3A_653 = vector.broadcast %add3A_652 : i32 to vector<16xi32>
      %add3A_654 = arith.addi %iota3A, %add3A_653 : vector<16xi32>
      %rem3A_655 = arith.remsi %add3A_654, %broadcast_in_dim3A_27 : vector<16xi32>
      %convert_element_type3A_656 = arith.sitofp %rem3A_655 : vector<16xi32> to vector<16xf32>
      tpu.vector_store_idx %arg11[%add3A_650, %broadcast_in_dim3A_25], %convert_element_type3A_656 : memref<128x64xf32, #tpu.memory_space<vmem>>[vector<16xi32>, vector<16xi32>], vector<16xf32>,
      %add3A_657 = arith.constant 16 : i32
      %add3A_658 = vector.broadcast %add3A_657 : i32 to vector<16xi32>
      %add3A_659 = arith.addi %iota3A, %add3A_658 : vector<16xi32>
      %add3A_660 = arith.constant 16 : i32
      %add3A_661 = arith.addi %add3A_647, %add3A_660 : i32
      %add3A_662 = vector.broadcast %add3A_661 : i32 to vector<16xi32>
      %add3A_663 = arith.addi %iota3A, %add3A_662 : vector<16xi32>
      %rem3A_664 = arith.remsi %add3A_663, %broadcast_in_dim3A_27 : vector<16xi32>
      %convert_element_type3A_665 = arith.sitofp %rem3A_664 : vector<16xi32> to vector<16xf32>
      tpu.vector_store_idx %arg11[%add3A_659, %broadcast_in_dim3A_25], %convert_element_type3A_665 : memref<128x64xf32, #tpu.memory_space<vmem>>[vector<16xi32>, vector<16xi32>], vector<16xf32>,
      %add3A_666 = arith.constant 32 : i32
      %add3A_667 = vector.broadcast %add3A_666 : i32 to vector<16xi32>
      %add3A_668 = arith.addi %iota3A, %add3A_667 : vector<16xi32>
      %add3A_669 = arith.constant 32 : i32
      %add3A_670 = arith.addi %add3A_647, %add3A_669 : i32
      %add3A_671 = vector.broadcast %add3A_670 : i32 to vector<16xi32>
      %add3A_672 = arith.addi %iota3A, %add3A_671 : vector<16xi32>
      %rem3A_673 = arith.remsi %add3A_672, %broadcast_in_dim3A_27 : vector<16xi32>
      %convert_element_type3A_674 = arith.sitofp %rem3A_673 : vector<16xi32> to vector<16xf32>
      tpu.vector_store_idx %arg11[%add3A_668, %broadcast_in_dim3A_25], %convert_element_type3A_674 : memref<128x64xf32, #tpu.memory_space<vmem>>[vector<16xi32>, vector<16xi32>], vector<16xf32>,
      %add3A_675 = arith.constant 48 : i32
      %add3A_676 = vector.broadcast %add3A_675 : i32 to vector<16xi32>
      %add3A_677 = arith.addi %iota3A, %add3A_676 : vector<16xi32>
      %add3A_678 = arith.constant 48 : i32
      %add3A_679 = arith.addi %add3A_647, %add3A_678 : i32
      %add3A_680 = vector.broadcast %add3A_679 : i32 to vector<16xi32>
      %add3A_681 = arith.addi %iota3A, %add3A_680 : vector<16xi32>
      %rem3A_682 = arith.remsi %add3A_681, %broadcast_in_dim3A_27 : vector<16xi32>
      %convert_element_type3A_683 = arith.sitofp %rem3A_682 : vector<16xi32> to vector<16xf32>
      tpu.vector_store_idx %arg11[%add3A_677, %broadcast_in_dim3A_25], %convert_element_type3A_683 : memref<128x64xf32, #tpu.memory_space<vmem>>[vector<16xi32>, vector<16xi32>], vector<16xf32>,
      %add3A_684 = arith.constant 64 : i32
      %add3A_685 = vector.broadcast %add3A_684 : i32 to vector<16xi32>
      %add3A_686 = arith.addi %iota3A, %add3A_685 : vector<16xi32>
      %add3A_687 = arith.constant 64 : i32
      %add3A_688 = arith.addi %add3A_647, %add3A_687 : i32
      %add3A_689 = vector.broadcast %add3A_688 : i32 to vector<16xi32>
      %add3A_690 = arith.addi %iota3A, %add3A_689 : vector<16xi32>
      %rem3A_691 = arith.remsi %add3A_690, %broadcast_in_dim3A_27 : vector<16xi32>
      %convert_element_type3A_692 = arith.sitofp %rem3A_691 : vector<16xi32> to vector<16xf32>
      tpu.vector_store_idx %arg11[%add3A_686, %broadcast_in_dim3A_25], %convert_element_type3A_692 : memref<128x64xf32, #tpu.memory_space<vmem>>[vector<16xi32>, vector<16xi32>], vector<16xf32>,
      %add3A_693 = arith.constant 80 : i32
      %add3A_694 = vector.broadcast %add3A_693 : i32 to vector<16xi32>
      %add3A_695 = arith.addi %iota3A, %add3A_694 : vector<16xi32>
      %add3A_696 = arith.constant 80 : i32
      %add3A_697 = arith.addi %add3A_647, %add3A_696 : i32
      %add3A_698 = vector.broadcast %add3A_697 : i32 to vector<16xi32>
      %add3A_699 = arith.addi %iota3A, %add3A_698 : vector<16xi32>
      %rem3A_700 = arith.remsi %add3A_699, %broadcast_in_dim3A_27 : vector<16xi32>
      %convert_element_type3A_701 = arith.sitofp %rem3A_700 : vector<16xi32> to vector<16xf32>
      tpu.vector_store_idx %arg11[%add3A_695, %broadcast_in_dim3A_25], %convert_element_type3A_701 : memref<128x64xf32, #tpu.memory_space<vmem>>[vector<16xi32>, vector<16xi32>], vector<16xf32>,
      %add3A_702 = arith.constant 96 : i32
      %add3A_703 = vector.broadcast %add3A_702 : i32 to vector<16xi32>
      %add3A_704 = arith.addi %iota3A, %add3A_703 : vector<16xi32>
      %add3A_705 = arith.constant 96 : i32
      %add3A_706 = arith.addi %add3A_647, %add3A_705 : i32
      %add3A_707 = vector.broadcast %add3A_706 : i32 to vector<16xi32>
      %add3A_708 = arith.addi %iota3A, %add3A_707 : vector<16xi32>
      %rem3A_709 = arith.remsi %add3A_708, %broadcast_in_dim3A_27 : vector<16xi32>
      %convert_element_type3A_710 = arith.sitofp %rem3A_709 : vector<16xi32> to vector<16xf32>
      tpu.vector_store_idx %arg11[%add3A_704, %broadcast_in_dim3A_25], %convert_element_type3A_710 : memref<128x64xf32, #tpu.memory_space<vmem>>[vector<16xi32>, vector<16xi32>], vector<16xf32>,
      %add3A_711 = arith.constant 112 : i32
      %add3A_712 = vector.broadcast %add3A_711 : i32 to vector<16xi32>
      %add3A_713 = arith.addi %iota3A, %add3A_712 : vector<16xi32>
      %add3A_714 = arith.constant 112 : i32
      %add3A_715 = arith.addi %add3A_647, %add3A_714 : i32
      %add3A_716 = vector.broadcast %add3A_715 : i32 to vector<16xi32>
      %add3A_717 = arith.addi %iota3A, %add3A_716 : vector<16xi32>
      %rem3A_718 = arith.remsi %add3A_717, %broadcast_in_dim3A_27 : vector<16xi32>
      %convert_element_type3A_719 = arith.sitofp %rem3A_718 : vector<16xi32> to vector<16xf32>
      tpu.vector_store_idx %arg11[%add3A_713, %broadcast_in_dim3A_25], %convert_element_type3A_719 : memref<128x64xf32, #tpu.memory_space<vmem>>[vector<16xi32>, vector<16xi32>], vector<16xf32>,
      %mul3A_720 = arith.constant 128 : i32
      %mul3A_721 = arith.muli %add3A_620, %mul3A_720 : i32
      %add3A_722 = arith.addi %mul3A_2, %mul3A_721 : i32
      %dma_start3A_723 = arith.constant 0 : i32
      %dma_start3A_724 = tpu.memref_slice %arg4[%add3A_722, %dma_start3A_723] : memref<819200x64xf32, #tpu.memory_space<hbm>> -> memref<128x64xf32, #tpu.memory_space<hbm>>
      %dma_start3A_725 = arith.constant 0 : i32
      %dma_start3A_726 = tpu.memref_slice %arg4[%add3A_722, %dma_start3A_725] : memref<819200x64xf32, #tpu.memory_space<hbm>> -> memref<128x64xf32, #tpu.memory_space<hbm>>
      tpu.enqueue_dma source(%arg11 : memref<128x64xf32, #tpu.memory_space<vmem>>) target(%dma_start3A_726 : memref<128x64xf32, #tpu.memory_space<hbm>>) target_semaphore(%arg27 : memref<!tpu.dma_semaphore, #tpu.memory_space<semaphore_mem>>)
      %add3A_727 = arith.constant 6 : i32
      %add3A_728 = arith.addi %add3A_84, %add3A_727 : i32
      %add3A_729 = arith.constant 4 : i32
      %add3A_730 = arith.addi %add3A_728, %add3A_729 : i32
      %lt3A_731 = arith.constant 200 : i32
      %lt3A_732 = arith.cmpi slt, %add3A_730, %lt3A_731 : i32
      %ge3A_733 = arith.constant 8 : i32
      %ge3A_734 = arith.cmpi sge, %add3A_730, %ge3A_733 : i32
      %and3A_735 = arith.andi %lt3A_732, %ge3A_734 : i1
      %convert_element_type3A_736 = arith.extui %and3A_735 : i1 to i32
      %cond3A_737 = arith.constant 0 : i32
      %cond3A_738 = arith.cmpi ne, %convert_element_type3A_736, %cond3A_737 : i32
      scf.if %cond3A_738 {
        %sub3A = arith.constant 8 : i32
        %sub3A_943 = arith.subi %add3A_730, %sub3A : i32
        %mul3A_944 = arith.constant 128 : i32
        %mul3A_945 = arith.muli %sub3A_943, %mul3A_944 : i32
        %add3A_946 = arith.addi %mul3A_2, %mul3A_945 : i32
        %dma_wait3A_947 = arith.constant 0 : i32
        %dma_wait3A_948 = tpu.memref_slice %arg4[%add3A_946, %dma_wait3A_947] : memref<819200x64xf32, #tpu.memory_space<hbm>> -> memref<128x64xf32, #tpu.memory_space<hbm>>
        %dma_wait3A_949 = arith.constant 0 : i32
        %dma_wait3A_950 = tpu.memref_slice %arg4[%add3A_946, %dma_wait3A_949] : memref<819200x64xf32, #tpu.memory_space<hbm>> -> memref<128x64xf32, #tpu.memory_space<hbm>>
        tpu.wait_dma2 semaphore(%arg24 : memref<!tpu.dma_semaphore, #tpu.memory_space<semaphore_mem>>) src(%arg8 : memref<128x64xf32, #tpu.memory_space<vmem>>) dst(%dma_wait3A_950 : memref<128x64xf32, #tpu.memory_space<hbm>>)
        %mul3A_951 = arith.constant 128 : i32
        %mul3A_952 = arith.muli %add3A_730, %mul3A_951 : i32
        %dma_start3A_953 = tpu.memref_slice %arg5[%mul3A_952] : memref<25600xi32, #tpu.memory_space<vmem>> -> memref<128xi32, #tpu.memory_space<vmem>>
        %dma_start3A_954 = arith.constant 0 : i32
        %dma_start3A_955 = arith.constant 0 : i32
        %dma_start3A_956 = tpu.memref_slice %arg2[%dma_start3A_954, %dma_start3A_955] : memref<1000000x64xf32, #tpu.memory_space<hbm>> -> memref<1000000x64xf32, #tpu.memory_space<hbm>>
        tpu.enqueue_indirect_dma source(%dma_start3A_956 : memref<1000000x64xf32, #tpu.memory_space<hbm>>) target(%arg8 : memref<128x64xf32, #tpu.memory_space<vmem>>) offsets(%dma_start3A_953 : memref<128xi32, #tpu.memory_space<vmem>>) semaphore(%arg16 : memref<!tpu.dma_semaphore, #tpu.memory_space<semaphore_mem>>)
      } else {
      }
      %lt3A_739 = arith.constant 200 : i32
      %lt3A_740 = arith.cmpi slt, %add3A_730, %lt3A_739 : i32
      %lt3A_741 = arith.constant 8 : i32
      %lt3A_742 = arith.cmpi slt, %add3A_730, %lt3A_741 : i32
      %and3A_743 = arith.andi %lt3A_740, %lt3A_742 : i1
      %convert_element_type3A_744 = arith.extui %and3A_743 : i1 to i32
      %cond3A_745 = arith.constant 0 : i32
      %cond3A_746 = arith.cmpi ne, %convert_element_type3A_744, %cond3A_745 : i32
      scf.if %cond3A_746 {
        %mul3A_943 = arith.constant 128 : i32
        %mul3A_944 = arith.muli %add3A_730, %mul3A_943 : i32
        %dma_start3A_945 = tpu.memref_slice %arg5[%mul3A_944] : memref<25600xi32, #tpu.memory_space<vmem>> -> memref<128xi32, #tpu.memory_space<vmem>>
        %dma_start3A_946 = arith.constant 0 : i32
        %dma_start3A_947 = arith.constant 0 : i32
        %dma_start3A_948 = tpu.memref_slice %arg2[%dma_start3A_946, %dma_start3A_947] : memref<1000000x64xf32, #tpu.memory_space<hbm>> -> memref<1000000x64xf32, #tpu.memory_space<hbm>>
        tpu.enqueue_indirect_dma source(%dma_start3A_948 : memref<1000000x64xf32, #tpu.memory_space<hbm>>) target(%arg8 : memref<128x64xf32, #tpu.memory_space<vmem>>) offsets(%dma_start3A_945 : memref<128xi32, #tpu.memory_space<vmem>>) semaphore(%arg16 : memref<!tpu.dma_semaphore, #tpu.memory_space<semaphore_mem>>)
      } else {
      }
      %mul3A_747 = arith.constant 128 : i32
      %mul3A_748 = arith.muli %add3A_728, %mul3A_747 : i32
      %dma_wait3A_749 = tpu.memref_slice %arg5[%mul3A_748] : memref<25600xi32, #tpu.memory_space<vmem>> -> memref<128xi32, #tpu.memory_space<vmem>>
      %dma_wait3A_750 = arith.constant 0 : i32
      %dma_wait3A_751 = arith.constant 0 : i32
      %dma_wait3A_752 = tpu.memref_slice %arg2[%dma_wait3A_750, %dma_wait3A_751] : memref<1000000x64xf32, #tpu.memory_space<hbm>> -> memref<1000000x64xf32, #tpu.memory_space<hbm>>
      tpu.wait_indirect_dma semaphore(%arg20 : memref<!tpu.dma_semaphore, #tpu.memory_space<semaphore_mem>>) src(%dma_wait3A_752 : memref<1000000x64xf32, #tpu.memory_space<hbm>>) dst(%arg12 : memref<128x64xf32, #tpu.memory_space<vmem>>)
      %mul3A_753 = arith.constant 128 : i32
      %mul3A_754 = arith.muli %add3A_728, %mul3A_753 : i32
      %add3A_755 = arith.addi %mul3A_2, %mul3A_754 : i32
      %add3A_756 = arith.constant 0 : i32
      %add3A_757 = vector.broadcast %add3A_756 : i32 to vector<16xi32>
      %add3A_758 = arith.addi %iota3A, %add3A_757 : vector<16xi32>
      %add3A_759 = arith.constant 0 : i32
      %add3A_760 = arith.addi %add3A_755, %add3A_759 : i32
      %add3A_761 = vector.broadcast %add3A_760 : i32 to vector<16xi32>
      %add3A_762 = arith.addi %iota3A, %add3A_761 : vector<16xi32>
      %rem3A_763 = arith.remsi %add3A_762, %broadcast_in_dim3A_27 : vector<16xi32>
      %convert_element_type3A_764 = arith.sitofp %rem3A_763 : vector<16xi32> to vector<16xf32>
      tpu.vector_store_idx %arg12[%add3A_758, %broadcast_in_dim3A_25], %convert_element_type3A_764 : memref<128x64xf32, #tpu.memory_space<vmem>>[vector<16xi32>, vector<16xi32>], vector<16xf32>,
      %add3A_765 = arith.constant 16 : i32
      %add3A_766 = vector.broadcast %add3A_765 : i32 to vector<16xi32>
      %add3A_767 = arith.addi %iota3A, %add3A_766 : vector<16xi32>
      %add3A_768 = arith.constant 16 : i32
      %add3A_769 = arith.addi %add3A_755, %add3A_768 : i32
      %add3A_770 = vector.broadcast %add3A_769 : i32 to vector<16xi32>
      %add3A_771 = arith.addi %iota3A, %add3A_770 : vector<16xi32>
      %rem3A_772 = arith.remsi %add3A_771, %broadcast_in_dim3A_27 : vector<16xi32>
      %convert_element_type3A_773 = arith.sitofp %rem3A_772 : vector<16xi32> to vector<16xf32>
      tpu.vector_store_idx %arg12[%add3A_767, %broadcast_in_dim3A_25], %convert_element_type3A_773 : memref<128x64xf32, #tpu.memory_space<vmem>>[vector<16xi32>, vector<16xi32>], vector<16xf32>,
      %add3A_774 = arith.constant 32 : i32
      %add3A_775 = vector.broadcast %add3A_774 : i32 to vector<16xi32>
      %add3A_776 = arith.addi %iota3A, %add3A_775 : vector<16xi32>
      %add3A_777 = arith.constant 32 : i32
      %add3A_778 = arith.addi %add3A_755, %add3A_777 : i32
      %add3A_779 = vector.broadcast %add3A_778 : i32 to vector<16xi32>
      %add3A_780 = arith.addi %iota3A, %add3A_779 : vector<16xi32>
      %rem3A_781 = arith.remsi %add3A_780, %broadcast_in_dim3A_27 : vector<16xi32>
      %convert_element_type3A_782 = arith.sitofp %rem3A_781 : vector<16xi32> to vector<16xf32>
      tpu.vector_store_idx %arg12[%add3A_776, %broadcast_in_dim3A_25], %convert_element_type3A_782 : memref<128x64xf32, #tpu.memory_space<vmem>>[vector<16xi32>, vector<16xi32>], vector<16xf32>,
      %add3A_783 = arith.constant 48 : i32
      %add3A_784 = vector.broadcast %add3A_783 : i32 to vector<16xi32>
      %add3A_785 = arith.addi %iota3A, %add3A_784 : vector<16xi32>
      %add3A_786 = arith.constant 48 : i32
      %add3A_787 = arith.addi %add3A_755, %add3A_786 : i32
      %add3A_788 = vector.broadcast %add3A_787 : i32 to vector<16xi32>
      %add3A_789 = arith.addi %iota3A, %add3A_788 : vector<16xi32>
      %rem3A_790 = arith.remsi %add3A_789, %broadcast_in_dim3A_27 : vector<16xi32>
      %convert_element_type3A_791 = arith.sitofp %rem3A_790 : vector<16xi32> to vector<16xf32>
      tpu.vector_store_idx %arg12[%add3A_785, %broadcast_in_dim3A_25], %convert_element_type3A_791 : memref<128x64xf32, #tpu.memory_space<vmem>>[vector<16xi32>, vector<16xi32>], vector<16xf32>,
      %add3A_792 = arith.constant 64 : i32
      %add3A_793 = vector.broadcast %add3A_792 : i32 to vector<16xi32>
      %add3A_794 = arith.addi %iota3A, %add3A_793 : vector<16xi32>
      %add3A_795 = arith.constant 64 : i32
      %add3A_796 = arith.addi %add3A_755, %add3A_795 : i32
      %add3A_797 = vector.broadcast %add3A_796 : i32 to vector<16xi32>
      %add3A_798 = arith.addi %iota3A, %add3A_797 : vector<16xi32>
      %rem3A_799 = arith.remsi %add3A_798, %broadcast_in_dim3A_27 : vector<16xi32>
      %convert_element_type3A_800 = arith.sitofp %rem3A_799 : vector<16xi32> to vector<16xf32>
      tpu.vector_store_idx %arg12[%add3A_794, %broadcast_in_dim3A_25], %convert_element_type3A_800 : memref<128x64xf32, #tpu.memory_space<vmem>>[vector<16xi32>, vector<16xi32>], vector<16xf32>,
      %add3A_801 = arith.constant 80 : i32
      %add3A_802 = vector.broadcast %add3A_801 : i32 to vector<16xi32>
      %add3A_803 = arith.addi %iota3A, %add3A_802 : vector<16xi32>
      %add3A_804 = arith.constant 80 : i32
      %add3A_805 = arith.addi %add3A_755, %add3A_804 : i32
      %add3A_806 = vector.broadcast %add3A_805 : i32 to vector<16xi32>
      %add3A_807 = arith.addi %iota3A, %add3A_806 : vector<16xi32>
      %rem3A_808 = arith.remsi %add3A_807, %broadcast_in_dim3A_27 : vector<16xi32>
      %convert_element_type3A_809 = arith.sitofp %rem3A_808 : vector<16xi32> to vector<16xf32>
      tpu.vector_store_idx %arg12[%add3A_803, %broadcast_in_dim3A_25], %convert_element_type3A_809 : memref<128x64xf32, #tpu.memory_space<vmem>>[vector<16xi32>, vector<16xi32>], vector<16xf32>,
      %add3A_810 = arith.constant 96 : i32
      %add3A_811 = vector.broadcast %add3A_810 : i32 to vector<16xi32>
      %add3A_812 = arith.addi %iota3A, %add3A_811 : vector<16xi32>
      %add3A_813 = arith.constant 96 : i32
      %add3A_814 = arith.addi %add3A_755, %add3A_813 : i32
      %add3A_815 = vector.broadcast %add3A_814 : i32 to vector<16xi32>
      %add3A_816 = arith.addi %iota3A, %add3A_815 : vector<16xi32>
      %rem3A_817 = arith.remsi %add3A_816, %broadcast_in_dim3A_27 : vector<16xi32>
      %convert_element_type3A_818 = arith.sitofp %rem3A_817 : vector<16xi32> to vector<16xf32>
      tpu.vector_store_idx %arg12[%add3A_812, %broadcast_in_dim3A_25], %convert_element_type3A_818 : memref<128x64xf32, #tpu.memory_space<vmem>>[vector<16xi32>, vector<16xi32>], vector<16xf32>,
      %add3A_819 = arith.constant 112 : i32
      %add3A_820 = vector.broadcast %add3A_819 : i32 to vector<16xi32>
      %add3A_821 = arith.addi %iota3A, %add3A_820 : vector<16xi32>
      %add3A_822 = arith.constant 112 : i32
      %add3A_823 = arith.addi %add3A_755, %add3A_822 : i32
      %add3A_824 = vector.broadcast %add3A_823 : i32 to vector<16xi32>
      %add3A_825 = arith.addi %iota3A, %add3A_824 : vector<16xi32>
      %rem3A_826 = arith.remsi %add3A_825, %broadcast_in_dim3A_27 : vector<16xi32>
      %convert_element_type3A_827 = arith.sitofp %rem3A_826 : vector<16xi32> to vector<16xf32>
      tpu.vector_store_idx %arg12[%add3A_821, %broadcast_in_dim3A_25], %convert_element_type3A_827 : memref<128x64xf32, #tpu.memory_space<vmem>>[vector<16xi32>, vector<16xi32>], vector<16xf32>,
      %mul3A_828 = arith.constant 128 : i32
      %mul3A_829 = arith.muli %add3A_728, %mul3A_828 : i32
      %add3A_830 = arith.addi %mul3A_2, %mul3A_829 : i32
      %dma_start3A_831 = arith.constant 0 : i32
      %dma_start3A_832 = tpu.memref_slice %arg4[%add3A_830, %dma_start3A_831] : memref<819200x64xf32, #tpu.memory_space<hbm>> -> memref<128x64xf32, #tpu.memory_space<hbm>>
      %dma_start3A_833 = arith.constant 0 : i32
      %dma_start3A_834 = tpu.memref_slice %arg4[%add3A_830, %dma_start3A_833] : memref<819200x64xf32, #tpu.memory_space<hbm>> -> memref<128x64xf32, #tpu.memory_space<hbm>>
      tpu.enqueue_dma source(%arg12 : memref<128x64xf32, #tpu.memory_space<vmem>>) target(%dma_start3A_834 : memref<128x64xf32, #tpu.memory_space<hbm>>) target_semaphore(%arg28 : memref<!tpu.dma_semaphore, #tpu.memory_space<semaphore_mem>>)
      %add3A_835 = arith.constant 7 : i32
      %add3A_836 = arith.addi %add3A_84, %add3A_835 : i32
      %add3A_837 = arith.constant 4 : i32
      %add3A_838 = arith.addi %add3A_836, %add3A_837 : i32
      %lt3A_839 = arith.constant 200 : i32
      %lt3A_840 = arith.cmpi slt, %add3A_838, %lt3A_839 : i32
      %ge3A_841 = arith.constant 8 : i32
      %ge3A_842 = arith.cmpi sge, %add3A_838, %ge3A_841 : i32
      %and3A_843 = arith.andi %lt3A_840, %ge3A_842 : i1
      %convert_element_type3A_844 = arith.extui %and3A_843 : i1 to i32
      %cond3A_845 = arith.constant 0 : i32
      %cond3A_846 = arith.cmpi ne, %convert_element_type3A_844, %cond3A_845 : i32
      scf.if %cond3A_846 {
        %sub3A = arith.constant 8 : i32
        %sub3A_943 = arith.subi %add3A_838, %sub3A : i32
        %mul3A_944 = arith.constant 128 : i32
        %mul3A_945 = arith.muli %sub3A_943, %mul3A_944 : i32
        %add3A_946 = arith.addi %mul3A_2, %mul3A_945 : i32
        %dma_wait3A_947 = arith.constant 0 : i32
        %dma_wait3A_948 = tpu.memref_slice %arg4[%add3A_946, %dma_wait3A_947] : memref<819200x64xf32, #tpu.memory_space<hbm>> -> memref<128x64xf32, #tpu.memory_space<hbm>>
        %dma_wait3A_949 = arith.constant 0 : i32
        %dma_wait3A_950 = tpu.memref_slice %arg4[%add3A_946, %dma_wait3A_949] : memref<819200x64xf32, #tpu.memory_space<hbm>> -> memref<128x64xf32, #tpu.memory_space<hbm>>
        tpu.wait_dma2 semaphore(%arg25 : memref<!tpu.dma_semaphore, #tpu.memory_space<semaphore_mem>>) src(%arg9 : memref<128x64xf32, #tpu.memory_space<vmem>>) dst(%dma_wait3A_950 : memref<128x64xf32, #tpu.memory_space<hbm>>)
        %mul3A_951 = arith.constant 128 : i32
        %mul3A_952 = arith.muli %add3A_838, %mul3A_951 : i32
        %dma_start3A_953 = tpu.memref_slice %arg5[%mul3A_952] : memref<25600xi32, #tpu.memory_space<vmem>> -> memref<128xi32, #tpu.memory_space<vmem>>
        %dma_start3A_954 = arith.constant 0 : i32
        %dma_start3A_955 = arith.constant 0 : i32
        %dma_start3A_956 = tpu.memref_slice %arg2[%dma_start3A_954, %dma_start3A_955] : memref<1000000x64xf32, #tpu.memory_space<hbm>> -> memref<1000000x64xf32, #tpu.memory_space<hbm>>
        tpu.enqueue_indirect_dma source(%dma_start3A_956 : memref<1000000x64xf32, #tpu.memory_space<hbm>>) target(%arg9 : memref<128x64xf32, #tpu.memory_space<vmem>>) offsets(%dma_start3A_953 : memref<128xi32, #tpu.memory_space<vmem>>) semaphore(%arg17 : memref<!tpu.dma_semaphore, #tpu.memory_space<semaphore_mem>>)
      } else {
      }
      %lt3A_847 = arith.constant 200 : i32
      %lt3A_848 = arith.cmpi slt, %add3A_838, %lt3A_847 : i32
      %lt3A_849 = arith.constant 8 : i32
      %lt3A_850 = arith.cmpi slt, %add3A_838, %lt3A_849 : i32
      %and3A_851 = arith.andi %lt3A_848, %lt3A_850 : i1
      %convert_element_type3A_852 = arith.extui %and3A_851 : i1 to i32
      %cond3A_853 = arith.constant 0 : i32
      %cond3A_854 = arith.cmpi ne, %convert_element_type3A_852, %cond3A_853 : i32
      scf.if %cond3A_854 {
        %mul3A_943 = arith.constant 128 : i32
        %mul3A_944 = arith.muli %add3A_838, %mul3A_943 : i32
        %dma_start3A_945 = tpu.memref_slice %arg5[%mul3A_944] : memref<25600xi32, #tpu.memory_space<vmem>> -> memref<128xi32, #tpu.memory_space<vmem>>
        %dma_start3A_946 = arith.constant 0 : i32
        %dma_start3A_947 = arith.constant 0 : i32
        %dma_start3A_948 = tpu.memref_slice %arg2[%dma_start3A_946, %dma_start3A_947] : memref<1000000x64xf32, #tpu.memory_space<hbm>> -> memref<1000000x64xf32, #tpu.memory_space<hbm>>
        tpu.enqueue_indirect_dma source(%dma_start3A_948 : memref<1000000x64xf32, #tpu.memory_space<hbm>>) target(%arg9 : memref<128x64xf32, #tpu.memory_space<vmem>>) offsets(%dma_start3A_945 : memref<128xi32, #tpu.memory_space<vmem>>) semaphore(%arg17 : memref<!tpu.dma_semaphore, #tpu.memory_space<semaphore_mem>>)
      } else {
      }
      %mul3A_855 = arith.constant 128 : i32
      %mul3A_856 = arith.muli %add3A_836, %mul3A_855 : i32
      %dma_wait3A_857 = tpu.memref_slice %arg5[%mul3A_856] : memref<25600xi32, #tpu.memory_space<vmem>> -> memref<128xi32, #tpu.memory_space<vmem>>
      %dma_wait3A_858 = arith.constant 0 : i32
      %dma_wait3A_859 = arith.constant 0 : i32
      %dma_wait3A_860 = tpu.memref_slice %arg2[%dma_wait3A_858, %dma_wait3A_859] : memref<1000000x64xf32, #tpu.memory_space<hbm>> -> memref<1000000x64xf32, #tpu.memory_space<hbm>>
      tpu.wait_indirect_dma semaphore(%arg21 : memref<!tpu.dma_semaphore, #tpu.memory_space<semaphore_mem>>) src(%dma_wait3A_860 : memref<1000000x64xf32, #tpu.memory_space<hbm>>) dst(%arg13 : memref<128x64xf32, #tpu.memory_space<vmem>>)
      %mul3A_861 = arith.constant 128 : i32
      %mul3A_862 = arith.muli %add3A_836, %mul3A_861 : i32
      %add3A_863 = arith.addi %mul3A_2, %mul3A_862 : i32
      %add3A_864 = arith.constant 0 : i32
      %add3A_865 = vector.broadcast %add3A_864 : i32 to vector<16xi32>
      %add3A_866 = arith.addi %iota3A, %add3A_865 : vector<16xi32>
      %add3A_867 = arith.constant 0 : i32
      %add3A_868 = arith.addi %add3A_863, %add3A_867 : i32
      %add3A_869 = vector.broadcast %add3A_868 : i32 to vector<16xi32>
      %add3A_870 = arith.addi %iota3A, %add3A_869 : vector<16xi32>
      %rem3A_871 = arith.remsi %add3A_870, %broadcast_in_dim3A_27 : vector<16xi32>
      %convert_element_type3A_872 = arith.sitofp %rem3A_871 : vector<16xi32> to vector<16xf32>
      tpu.vector_store_idx %arg13[%add3A_866, %broadcast_in_dim3A_25], %convert_element_type3A_872 : memref<128x64xf32, #tpu.memory_space<vmem>>[vector<16xi32>, vector<16xi32>], vector<16xf32>,
      %add3A_873 = arith.constant 16 : i32
      %add3A_874 = vector.broadcast %add3A_873 : i32 to vector<16xi32>
      %add3A_875 = arith.addi %iota3A, %add3A_874 : vector<16xi32>
      %add3A_876 = arith.constant 16 : i32
      %add3A_877 = arith.addi %add3A_863, %add3A_876 : i32
      %add3A_878 = vector.broadcast %add3A_877 : i32 to vector<16xi32>
      %add3A_879 = arith.addi %iota3A, %add3A_878 : vector<16xi32>
      %rem3A_880 = arith.remsi %add3A_879, %broadcast_in_dim3A_27 : vector<16xi32>
      %convert_element_type3A_881 = arith.sitofp %rem3A_880 : vector<16xi32> to vector<16xf32>
      tpu.vector_store_idx %arg13[%add3A_875, %broadcast_in_dim3A_25], %convert_element_type3A_881 : memref<128x64xf32, #tpu.memory_space<vmem>>[vector<16xi32>, vector<16xi32>], vector<16xf32>,
      %add3A_882 = arith.constant 32 : i32
      %add3A_883 = vector.broadcast %add3A_882 : i32 to vector<16xi32>
      %add3A_884 = arith.addi %iota3A, %add3A_883 : vector<16xi32>
      %add3A_885 = arith.constant 32 : i32
      %add3A_886 = arith.addi %add3A_863, %add3A_885 : i32
      %add3A_887 = vector.broadcast %add3A_886 : i32 to vector<16xi32>
      %add3A_888 = arith.addi %iota3A, %add3A_887 : vector<16xi32>
      %rem3A_889 = arith.remsi %add3A_888, %broadcast_in_dim3A_27 : vector<16xi32>
      %convert_element_type3A_890 = arith.sitofp %rem3A_889 : vector<16xi32> to vector<16xf32>
      tpu.vector_store_idx %arg13[%add3A_884, %broadcast_in_dim3A_25], %convert_element_type3A_890 : memref<128x64xf32, #tpu.memory_space<vmem>>[vector<16xi32>, vector<16xi32>], vector<16xf32>,
      %add3A_891 = arith.constant 48 : i32
      %add3A_892 = vector.broadcast %add3A_891 : i32 to vector<16xi32>
      %add3A_893 = arith.addi %iota3A, %add3A_892 : vector<16xi32>
      %add3A_894 = arith.constant 48 : i32
      %add3A_895 = arith.addi %add3A_863, %add3A_894 : i32
      %add3A_896 = vector.broadcast %add3A_895 : i32 to vector<16xi32>
      %add3A_897 = arith.addi %iota3A, %add3A_896 : vector<16xi32>
      %rem3A_898 = arith.remsi %add3A_897, %broadcast_in_dim3A_27 : vector<16xi32>
      %convert_element_type3A_899 = arith.sitofp %rem3A_898 : vector<16xi32> to vector<16xf32>
      tpu.vector_store_idx %arg13[%add3A_893, %broadcast_in_dim3A_25], %convert_element_type3A_899 : memref<128x64xf32, #tpu.memory_space<vmem>>[vector<16xi32>, vector<16xi32>], vector<16xf32>,
      %add3A_900 = arith.constant 64 : i32
      %add3A_901 = vector.broadcast %add3A_900 : i32 to vector<16xi32>
      %add3A_902 = arith.addi %iota3A, %add3A_901 : vector<16xi32>
      %add3A_903 = arith.constant 64 : i32
      %add3A_904 = arith.addi %add3A_863, %add3A_903 : i32
      %add3A_905 = vector.broadcast %add3A_904 : i32 to vector<16xi32>
      %add3A_906 = arith.addi %iota3A, %add3A_905 : vector<16xi32>
      %rem3A_907 = arith.remsi %add3A_906, %broadcast_in_dim3A_27 : vector<16xi32>
      %convert_element_type3A_908 = arith.sitofp %rem3A_907 : vector<16xi32> to vector<16xf32>
      tpu.vector_store_idx %arg13[%add3A_902, %broadcast_in_dim3A_25], %convert_element_type3A_908 : memref<128x64xf32, #tpu.memory_space<vmem>>[vector<16xi32>, vector<16xi32>], vector<16xf32>,
      %add3A_909 = arith.constant 80 : i32
      %add3A_910 = vector.broadcast %add3A_909 : i32 to vector<16xi32>
      %add3A_911 = arith.addi %iota3A, %add3A_910 : vector<16xi32>
      %add3A_912 = arith.constant 80 : i32
      %add3A_913 = arith.addi %add3A_863, %add3A_912 : i32
      %add3A_914 = vector.broadcast %add3A_913 : i32 to vector<16xi32>
      %add3A_915 = arith.addi %iota3A, %add3A_914 : vector<16xi32>
      %rem3A_916 = arith.remsi %add3A_915, %broadcast_in_dim3A_27 : vector<16xi32>
      %convert_element_type3A_917 = arith.sitofp %rem3A_916 : vector<16xi32> to vector<16xf32>
      tpu.vector_store_idx %arg13[%add3A_911, %broadcast_in_dim3A_25], %convert_element_type3A_917 : memref<128x64xf32, #tpu.memory_space<vmem>>[vector<16xi32>, vector<16xi32>], vector<16xf32>,
      %add3A_918 = arith.constant 96 : i32
      %add3A_919 = vector.broadcast %add3A_918 : i32 to vector<16xi32>
      %add3A_920 = arith.addi %iota3A, %add3A_919 : vector<16xi32>
      %add3A_921 = arith.constant 96 : i32
      %add3A_922 = arith.addi %add3A_863, %add3A_921 : i32
      %add3A_923 = vector.broadcast %add3A_922 : i32 to vector<16xi32>
      %add3A_924 = arith.addi %iota3A, %add3A_923 : vector<16xi32>
      %rem3A_925 = arith.remsi %add3A_924, %broadcast_in_dim3A_27 : vector<16xi32>
      %convert_element_type3A_926 = arith.sitofp %rem3A_925 : vector<16xi32> to vector<16xf32>
      tpu.vector_store_idx %arg13[%add3A_920, %broadcast_in_dim3A_25], %convert_element_type3A_926 : memref<128x64xf32, #tpu.memory_space<vmem>>[vector<16xi32>, vector<16xi32>], vector<16xf32>,
      %add3A_927 = arith.constant 112 : i32
      %add3A_928 = vector.broadcast %add3A_927 : i32 to vector<16xi32>
      %add3A_929 = arith.addi %iota3A, %add3A_928 : vector<16xi32>
      %add3A_930 = arith.constant 112 : i32
      %add3A_931 = arith.addi %add3A_863, %add3A_930 : i32
      %add3A_932 = vector.broadcast %add3A_931 : i32 to vector<16xi32>
      %add3A_933 = arith.addi %iota3A, %add3A_932 : vector<16xi32>
      %rem3A_934 = arith.remsi %add3A_933, %broadcast_in_dim3A_27 : vector<16xi32>
      %convert_element_type3A_935 = arith.sitofp %rem3A_934 : vector<16xi32> to vector<16xf32>
      tpu.vector_store_idx %arg13[%add3A_929, %broadcast_in_dim3A_25], %convert_element_type3A_935 : memref<128x64xf32, #tpu.memory_space<vmem>>[vector<16xi32>, vector<16xi32>], vector<16xf32>,
      %mul3A_936 = arith.constant 128 : i32
      %mul3A_937 = arith.muli %add3A_836, %mul3A_936 : i32
      %add3A_938 = arith.addi %mul3A_2, %mul3A_937 : i32
      %dma_start3A_939 = arith.constant 0 : i32
      %dma_start3A_940 = tpu.memref_slice %arg4[%add3A_938, %dma_start3A_939] : memref<819200x64xf32, #tpu.memory_space<hbm>> -> memref<128x64xf32, #tpu.memory_space<hbm>>
      %dma_start3A_941 = arith.constant 0 : i32
      %dma_start3A_942 = tpu.memref_slice %arg4[%add3A_938, %dma_start3A_941] : memref<819200x64xf32, #tpu.memory_space<hbm>> -> memref<128x64xf32, #tpu.memory_space<hbm>>
      tpu.enqueue_dma source(%arg13 : memref<128x64xf32, #tpu.memory_space<vmem>>) target(%dma_start3A_942 : memref<128x64xf32, #tpu.memory_space<hbm>>) target_semaphore(%arg29 : memref<!tpu.dma_semaphore, #tpu.memory_space<semaphore_mem>>)
    }
    %scan3A_31 = arith.constant 25 : i32
    %add3A_32 = arith.constant 24576 : i32
    %add3A_33 = arith.addi %mul3A_2, %add3A_32 : i32
    %dma_wait3A_34 = arith.constant 0 : i32
    %dma_wait3A_35 = tpu.memref_slice %arg4[%add3A_33, %dma_wait3A_34] : memref<819200x64xf32, #tpu.memory_space<hbm>> -> memref<128x64xf32, #tpu.memory_space<hbm>>
    %dma_wait3A_36 = arith.constant 0 : i32
    %dma_wait3A_37 = tpu.memref_slice %arg4[%add3A_33, %dma_wait3A_36] : memref<819200x64xf32, #tpu.memory_space<hbm>> -> memref<128x64xf32, #tpu.memory_space<hbm>>
    tpu.wait_dma2 semaphore(%arg22 : memref<!tpu.dma_semaphore, #tpu.memory_space<semaphore_mem>>) src(%arg6 : memref<128x64xf32, #tpu.memory_space<vmem>>) dst(%dma_wait3A_37 : memref<128x64xf32, #tpu.memory_space<hbm>>)
    %add3A_38 = arith.constant 24704 : i32
    %add3A_39 = arith.addi %mul3A_2, %add3A_38 : i32
    %dma_wait3A_40 = arith.constant 0 : i32
    %dma_wait3A_41 = tpu.memref_slice %arg4[%add3A_39, %dma_wait3A_40] : memref<819200x64xf32, #tpu.memory_space<hbm>> -> memref<128x64xf32, #tpu.memory_space<hbm>>
    %dma_wait3A_42 = arith.constant 0 : i32
    %dma_wait3A_43 = tpu.memref_slice %arg4[%add3A_39, %dma_wait3A_42] : memref<819200x64xf32, #tpu.memory_space<hbm>> -> memref<128x64xf32, #tpu.memory_space<hbm>>
    tpu.wait_dma2 semaphore(%arg23 : memref<!tpu.dma_semaphore, #tpu.memory_space<semaphore_mem>>) src(%arg7 : memref<128x64xf32, #tpu.memory_space<vmem>>) dst(%dma_wait3A_43 : memref<128x64xf32, #tpu.memory_space<hbm>>)
    %add3A_44 = arith.constant 24832 : i32
    %add3A_45 = arith.addi %mul3A_2, %add3A_44 : i32
    %dma_wait3A_46 = arith.constant 0 : i32
    %dma_wait3A_47 = tpu.memref_slice %arg4[%add3A_45, %dma_wait3A_46] : memref<819200x64xf32, #tpu.memory_space<hbm>> -> memref<128x64xf32, #tpu.memory_space<hbm>>
    %dma_wait3A_48 = arith.constant 0 : i32
    %dma_wait3A_49 = tpu.memref_slice %arg4[%add3A_45, %dma_wait3A_48] : memref<819200x64xf32, #tpu.memory_space<hbm>> -> memref<128x64xf32, #tpu.memory_space<hbm>>
    tpu.wait_dma2 semaphore(%arg24 : memref<!tpu.dma_semaphore, #tpu.memory_space<semaphore_mem>>) src(%arg8 : memref<128x64xf32, #tpu.memory_space<vmem>>) dst(%dma_wait3A_49 : memref<128x64xf32, #tpu.memory_space<hbm>>)
    %add3A_50 = arith.constant 24960 : i32
    %add3A_51 = arith.addi %mul3A_2, %add3A_50 : i32
    %dma_wait3A_52 = arith.constant 0 : i32
    %dma_wait3A_53 = tpu.memref_slice %arg4[%add3A_51, %dma_wait3A_52] : memref<819200x64xf32, #tpu.memory_space<hbm>> -> memref<128x64xf32, #tpu.memory_space<hbm>>
    %dma_wait3A_54 = arith.constant 0 : i32
    %dma_wait3A_55 = tpu.memref_slice %arg4[%add3A_51, %dma_wait3A_54] : memref<819200x64xf32, #tpu.memory_space<hbm>> -> memref<128x64xf32, #tpu.memory_space<hbm>>
    tpu.wait_dma2 semaphore(%arg25 : memref<!tpu.dma_semaphore, #tpu.memory_space<semaphore_mem>>) src(%arg9 : memref<128x64xf32, #tpu.memory_space<vmem>>) dst(%dma_wait3A_55 : memref<128x64xf32, #tpu.memory_space<hbm>>)
    %add3A_56 = arith.constant 25088 : i32
    %add3A_57 = arith.addi %mul3A_2, %add3A_56 : i32
    %dma_wait3A_58 = arith.constant 0 : i32
    %dma_wait3A_59 = tpu.memref_slice %arg4[%add3A_57, %dma_wait3A_58] : memref<819200x64xf32, #tpu.memory_space<hbm>> -> memref<128x64xf32, #tpu.memory_space<hbm>>
    %dma_wait3A_60 = arith.constant 0 : i32
    %dma_wait3A_61 = tpu.memref_slice %arg4[%add3A_57, %dma_wait3A_60] : memref<819200x64xf32, #tpu.memory_space<hbm>> -> memref<128x64xf32, #tpu.memory_space<hbm>>
    tpu.wait_dma2 semaphore(%arg26 : memref<!tpu.dma_semaphore, #tpu.memory_space<semaphore_mem>>) src(%arg10 : memref<128x64xf32, #tpu.memory_space<vmem>>) dst(%dma_wait3A_61 : memref<128x64xf32, #tpu.memory_space<hbm>>)
    %add3A_62 = arith.constant 25216 : i32
    %add3A_63 = arith.addi %mul3A_2, %add3A_62 : i32
    %dma_wait3A_64 = arith.constant 0 : i32
    %dma_wait3A_65 = tpu.memref_slice %arg4[%add3A_63, %dma_wait3A_64] : memref<819200x64xf32, #tpu.memory_space<hbm>> -> memref<128x64xf32, #tpu.memory_space<hbm>>
    %dma_wait3A_66 = arith.constant 0 : i32
    %dma_wait3A_67 = tpu.memref_slice %arg4[%add3A_63, %dma_wait3A_66] : memref<819200x64xf32, #tpu.memory_space<hbm>> -> memref<128x64xf32, #tpu.memory_space<hbm>>
    tpu.wait_dma2 semaphore(%arg27 : memref<!tpu.dma_semaphore, #tpu.memory_space<semaphore_mem>>) src(%arg11 : memref<128x64xf32, #tpu.memory_space<vmem>>) dst(%dma_wait3A_67 : memref<128x64xf32, #tpu.memory_space<hbm>>)
    %add3A_68 = arith.constant 25344 : i32
    %add3A_69 = arith.addi %mul3A_2, %add3A_68 : i32
    %dma_wait3A_70 = arith.constant 0 : i32
    %dma_wait3A_71 = tpu.memref_slice %arg4[%add3A_69, %dma_wait3A_70] : memref<819200x64xf32, #tpu.memory_space<hbm>> -> memref<128x64xf32, #tpu.memory_space<hbm>>
    %dma_wait3A_72 = arith.constant 0 : i32
    %dma_wait3A_73 = tpu.memref_slice %arg4[%add3A_69, %dma_wait3A_72] : memref<819200x64xf32, #tpu.memory_space<hbm>> -> memref<128x64xf32, #tpu.memory_space<hbm>>
    tpu.wait_dma2 semaphore(%arg28 : memref<!tpu.dma_semaphore, #tpu.memory_space<semaphore_mem>>) src(%arg12 : memref<128x64xf32, #tpu.memory_space<vmem>>) dst(%dma_wait3A_73 : memref<128x64xf32, #tpu.memory_space<hbm>>)
    %add3A_74 = arith.constant 25472 : i32
    %add3A_75 = arith.addi %mul3A_2, %add3A_74 : i32
    %dma_wait3A_76 = arith.constant 0 : i32
    %dma_wait3A_77 = tpu.memref_slice %arg4[%add3A_75, %dma_wait3A_76] : memref<819200x64xf32, #tpu.memory_space<hbm>> -> memref<128x64xf32, #tpu.memory_space<hbm>>
    %dma_wait3A_78 = arith.constant 0 : i32
    %dma_wait3A_79 = tpu.memref_slice %arg4[%add3A_75, %dma_wait3A_78] : memref<819200x64xf32, #tpu.memory_space<hbm>> -> memref<128x64xf32, #tpu.memory_space<hbm>>
    tpu.wait_dma2 semaphore(%arg29 : memref<!tpu.dma_semaphore, #tpu.memory_space<semaphore_mem>>) src(%arg13 : memref<128x64xf32, #tpu.memory_space<vmem>>) dst(%dma_wait3A_79 : memref<128x64xf32, #tpu.memory_space<hbm>>)
    return
  }
}

</mosaic_0001>

<sc_bundles>
// kernel: kernel.3.cloned.1.call-start
scs
__scs_entry_jumppad:
0x0: {  	(pc) =	sbr.rel $0x88, $3  }
0x1: {  	(tag) =	ssettag $0x0;
	lr =	simm.s32 $0x1  }
0x2: {  	[smem:$0x3F9F] =	sst lr;
	_ =	strace $0xD0000000  }
0x3: {  	_ = 	snop  }
0x4: {  	_ = 	snop  }
0x5: {  	_ = 	snop  }
0x6: {  	_ = 	snop  }
0x7: {  	_ = 	snop  }
__scs_overlays_trampoline_lowered:
0x8: {  	[smem:$0x3FAE] =	sst s0  }
0x9: {  	[smem:$0x3FAF] =	sst s1  }
0xa: {  	[smem:$0x3FB0] =	sst s2  }
0xb: {  	[smem:$0x3FB1] =	sst s3  }
0xc: {  	[smem:$0x3FB2] =	sst s4  }
0xd: {  	[smem:$0x3FB3] =	sst s5  }
0xe: {  	[smem:$0x3FB4] =	sst s6  }
0xf: {  	[smem:$0x3FB5] =	sst s7  }
0x10: {  	[smem:$0x3FB6] =	sst s8  }
0x11: {  	[smem:$0x3FB7] =	sst s9;
	s0 =	simm.s32 @!p0 $0x0  }
0x12: {  	s1 =	sld [smem:$0x3F9D];
	s0 =	simm.s32 @p0 $0x1  }
0x13: {  	[smem:$0x3FB8] =	sst s0;
	s0 =	simm.s32 @!p1 $0x0  }
0x14: {  	s2 =	sld [smem:$0x3F9C];
	s0 =	simm.s32 @p1 $0x1  }
0x15: {  	[smem:$0x3FB9] =	sst s0;
	s0 =	simm.s32 @!p2 $0x0  }
0x16: {  	s3 =	sld [smem:$0x3FDB];
	s0 =	simm.s32 @p2 $0x1  }
0x17: {  	s4 =	simm.s32 $0x1BF5;
	[smem:$0x3FBB] =	sst s0  }
0x18: {  	s0 =	sld [smem:$0x3F9E];
	_ =	swait.ge [sflag:s4], $0x0  }
0x19: {  	s7 =	sld [smem:$0x3F9F]  }
0x1a: {  	s8 =	sadd.s32 $0xFFFFE003, lr  }
0x1b: {  	s9 =	sadd.s32 $0xFFFFFEF7, lr;
	s5 =	simm.s32 $0xFFFFFFFF;
	p2 =	slt.u32 s8, $0xFFFFF086  }
0x1c: {  	p1 =	slt.u32 s9, $0xF7A;
	s5 =	simm.s32 @!p2 $0x0  }
0x1d: {  	s5 =	simm.s32 @p1 $0x1;
	p0 =	seq.s32 s7, s2  }
0x1e: {  	s7 =	smul.u32 @!p0 $0xF7A, s2;
	p2 =	seq.s32 @!p0 s5, $0x0  }
0x1f: {  	s9 =	smul.u32 $0xF7A, s1;
	s8 =	simm.s32 @!p0 $0x1BF5;
	p2 =	por !p2, p0  }
0x20: {  	[sflag:s8] =	ssyncset.s32 @!p0 $0xFFFFF086;
	s6 =	sadd.s32 @!p0 s3, s7;
	s7 =	simm.s32 @!p0 $0x108  }
0x21: {  	s3 =	sadd.s32 s3, s9;
	s6 =	sadd.s32 @!p0 $0x88, s6;
	s7 =	simm.s32 @p2 $0x1082  }
0x22: {  	[simem:s7], [sflag:s8] =	dma.local @!p0 [hbm:s6], $0xF7A  }
0x23: {  	s9 =	sor.u32 $0xD0000000, s2;
	s6 =	simm.s32 $0x108;
	_ =	swait.ge @!p0 [sflag:s8], $0x0  }
0x24: {  	s3 =	sadd.s32 $0x88, s3;
	s6 =	simm.s32 @!p1 $0x1082;
	[sflag:s4] =	ssyncset.s32 $0xFFFFF086  }
0x25: {  	[simem:s6], [sflag:s4] =	dma.local [hbm:s3], $0xF7A  }
0x26: {  	[smem:$0x3F9F] =	sst s1;
	(tag) =	ssettag s2;
	_ =	strace s9  }
0x27: {  	s1 =	sld [smem:$0x3FAF]  }
0x28: {  	s2 =	sld [smem:$0x3FB0]  }
0x29: {  	s4 =	sld [smem:$0x3FB2]  }
0x2a: {  	p0 =	seq.s32 s5, $0x0;
	s5 =	sld [smem:$0x3FB3]  }
0x2b: {  	s6 =	sld [smem:$0x3FB4]  }
0x2c: {  	s7 =	sld [smem:$0x3FB5]  }
0x2d: {  	s3 =	simm.s32 $0x108;
	s8 =	sld [smem:$0x3FB6]  }
0x2e: {  	s3 =	simm.s32 @!p0 $0x1082;
	s9 =	sld [smem:$0x3FB7]  }
0x2f: {  	lr =	sadd.s32 s0, s3;
	s0 =	sld [smem:$0x3FAE]  }
0x30: {  	s3 =	sld [smem:$0x3FB1]  }
0x31: {  	[smem:$0x3FBA] =	sst s10  }
0x32: {  	s10 =	sld [smem:$0x3FB8];
	_ =	sdelay $0x3  }
0x33: {  	p0 =	seq.s32 s10, $0x1;
	s10 =	sld [smem:$0x3FBA];
	_ =	sdelay $0x3  }
0x34: {  	[smem:$0x3FBA] =	sst s10  }
0x35: {  	s10 =	sld [smem:$0x3FB9];
	_ =	sdelay $0x3  }
0x36: {  	p1 =	seq.s32 s10, $0x1;
	s10 =	sld [smem:$0x3FBA];
	_ =	sdelay $0x3  }
0x37: {  	[smem:$0x3FBA] =	sst s10  }
0x38: {  	s10 =	sld [smem:$0x3FBB]  }
0x39: {  	_ = 	snop;
	(pc) =	sbr.ind lr, $3  }
0x3a: {  	_ = 	snop  }
0x3b: {  	_ = 	snop  }
0x3c: {  	p2 =	seq.s32 s10, $0x1;
	s10 =	sld [smem:$0x3FBA]  }
0x3d: {  	_ =	shalt  }
0x3e: {  	_ =	shalt  }
0x3f: {  	_ =	shalt  }
0x40: {  	_ =	shalt  }
0x41: {  	_ =	shalt  }
0x42: {  	_ =	shalt  }
0x43: {  	_ =	shalt  }
0x44: {  	_ =	shalt  }
0x45: {  	_ =	shalt  }
0x46: {  	_ =	shalt  }
0x47: {  	_ =	shalt  }
0x48: {  	_ =	shalt  }
0x49: {  	_ =	shalt  }
0x4a: {  	_ =	shalt  }
0x4b: {  	_ =	shalt  }
0x4c: {  	_ =	shalt  }
0x4d: {  	_ =	shalt  }
0x4e: {  	_ =	shalt  }
0x4f: {  	_ =	shalt  }
0x50: {  	_ =	shalt  }
0x51: {  	_ =	shalt  }
0x52: {  	_ =	shalt  }
0x53: {  	_ =	shalt  }
0x54: {  	_ =	shalt  }
0x55: {  	_ =	shalt  }
0x56: {  	_ =	shalt  }
0x57: {  	_ =	shalt  }
0x58: {  	_ =	shalt  }
0x59: {  	_ =	shalt  }
0x5a: {  	_ =	shalt  }
0x5b: {  	_ =	shalt  }
0x5c: {  	_ =	shalt  }
0x5d: {  	_ =	shalt  }
0x5e: {  	_ =	shalt  }
0x5f: {  	_ =	shalt  }
0x60: {  	_ =	shalt  }
0x61: {  	_ =	shalt  }
0x62: {  	_ =	shalt  }
0x63: {  	_ =	shalt  }
0x64: {  	_ =	shalt  }
0x65: {  	_ =	shalt  }
0x66: {  	_ =	shalt  }
0x67: {  	_ =	shalt  }
0x68: {  	_ =	shalt  }
0x69: {  	_ =	shalt  }
0x6a: {  	_ =	shalt  }
0x6b: {  	_ =	shalt  }
0x6c: {  	_ =	shalt  }
0x6d: {  	_ =	shalt  }
0x6e: {  	_ =	shalt  }
0x6f: {  	_ =	shalt  }
0x70: {  	_ =	shalt  }
0x71: {  	_ =	shalt  }
0x72: {  	_ =	shalt  }
0x73: {  	_ =	shalt  }
0x74: {  	_ =	shalt  }
0x75: {  	_ =	shalt  }
0x76: {  	_ =	shalt  }
0x77: {  	_ =	shalt  }
0x78: {  	_ =	shalt  }
0x79: {  	_ =	shalt  }
0x7a: {  	_ =	shalt  }
0x7b: {  	_ =	shalt  }
0x7c: {  	_ =	shalt  }
0x7d: {  	_ =	shalt  }
0x7e: {  	_ =	shalt  }
0x7f: {  	_ =	shalt  }
0x80: {  	_ =	shalt  }
0x81: {  	_ =	shalt  }
0x82: {  	_ =	shalt  }
0x83: {  	_ =	shalt  }
0x84: {  	_ =	shalt  }
0x85: {  	_ =	shalt  }
0x86: {  	_ =	shalt  }
0x87: {  	_ =	shalt  }
.Lfunc_end0:
.L_simem_size_0:
called_computation.1_lowered:
.L_overlay_start_0:
0x88: {  	s2 =	sld [smem:$0x3FD9]  }
0x89: {  	s3 =	sld [smem:$0x3FFE];
	_ =	sdelay $0x1  }
0x8a: {  	s1 =	srdreg.scid  }
0x8b: {  	s0 =	sand.u32 $0x1, s1  }
0x8c: {  	s17 =	sshll.u32 s0, $0xA;
	s2 =	sadd.s32 s3, s2  }
0x8d: {  	s2 =	sadd.s32 s2, s17  }
0x8e: {  	[smem:$0x3FC6] =	sst s2  }
0x8f: {  	_ = 	snop  }
0x90: {  	s2 =	sld [smem:$0x3FD0];
	(tm) =	ssettm $0x1  }
0x91: {  	s18 =	sld [smem:$0x3FFB];
	_ =	sdelay $0x3  }
0x92: {  	_ =	strace s18  }
0x93: {  	s3 =	sld [smem:$0x3FFC];
	_ =	sdelay $0x3  }
0x94: {  	_ =	strace s3  }
0x95: {  	s3 =	sld [smem:$0x3FFD];
	_ =	sdelay $0x3  }
0x96: {  	_ =	strace s3  }
0x97: {  	_ =	strace $0x8FFFFFFF  }
0x98: {  	s19 =	sld [smem:$0x3FDB];
	_ =	sdelay $0x1  }
0x99: {  	s4 =	simm.s32 $_scs_section_size  }
0x9a: {  	s5 =	simm.s32 $_size__tile_overlayer_lowered;
	s6 =	simm.s32 $_tile_overlayer_lowered  }
0x9b: {  	s22 =	simm.s32 $0x1BFF;
	s21 =	sshll.u32 s6, $0x1;
	s3 =	sadd.s32 s4, s19  }
0x9c: {  	s7 =	simm.s32 $0x0;
	s20 =	sshll.u32 s5, $0x1;
	s5 =	sadd.s32 s21, s3  }
0x9d: {  	[timem:s7], [sflag:s22] =	dma.local [hbm:s5], s20  }
0x9e: {  	_ =	swait.ge [sflag:s22], s20  }
0x9f: {  	s4 =	ssub.s32 $0x0, s20;
	[sflag:s22] =	ssyncset.done $0x0  }
0xa0: {  	[sflag:s22] =	ssyncadd.s32 s4;
	_ =	sdelay $0x1  }
0xa1: {  	s23 =	simm.s32 $0x1B8B  }
0xa2: {  	_ =	swait.ge [sflag:s23], $0x1  }
0xa3: {  	[sflag:s23] =	ssyncset.done $0x0  }
0xa4: {  	s25 =	simm.s32 $0x1B8E;
	s24 =	sld [smem:$0x3FFE];
	[sflag:s23] =	ssyncadd.s32 $0xFFFFFFFF  }
0xa5: {  	s26 =	simm.s32 $execute0_lowered;
	[smem:$0x3FD2] =	sst s25  }
0xa6: {  	s5 =	sshll.u32 s26, $0x1;
	_ =	strace $0x80000046;
	[dreg:$0x1] =	wrdreg $0xFFFFFFFF  }
0xa7: {  	s28 =	simm.s32 $_size_execute0_lowered;
	s3 =	sadd.s32 s3, s5;
	[dreg:$0x0] =	wrdreg $0x0  }
0xa8: {  	s5 =	sshll.u32 s28, $0x1;
	[dreg:$0x2] =	wrdreg s3  }
0xa9: {  	[dreg:$0x3] =	wrdreg s5  }
0xaa: {  	[dreg:$0x4] =	wrdreg $0xC0  }
0xab: {  	_ =	task [dreg:s7], $0x5FFFF  }
0xac: {  	[dreg:$0x1] =	wrdreg $0xFFFFFFFF  }
0xad: {  	[dreg:$0x0] =	wrdreg $0x60  }
0xae: {  	[dreg:$0x2] =	wrdreg s24  }
0xaf: {  	[dreg:$0x3] =	wrdreg s2  }
0xb0: {  	[dreg:$0x4] =	wrdreg $0x9  }
0xb1: {  	_ =	task.clear_ibuf [dreg:s7], $0x5FFFF;
	_ =	strace $0x90000046  }
0xb2: {  	s29 =	simm.s32 $0x9;
	_ =	strace $0x80000048  }
0xb3: {  	_ =	swait.ge [sflag:s29], $0x1  }
0xb4: {  	[sflag:s29] =	ssyncadd.s32 $0xFFFFFFFF  }
0xb5: {  	_ =	strace $0x90000048  }
0xb6: {  	_ =	sfence  }
0xb7: {  	s30 =	sld [smem:$0x0];
	_ =	sdelay $0x2  }
0xb8: {  	s31 =	sshll.u32 s1, $0xD;
	s1 =	sshrl.u32 s1, $0x2  }
0xb9: {  	s3 =	sand.u32 $0x4000, s31;
	s1 =	sadd.s32 s1, s30  }
0xba: {  	s0 =	sor.u32 s3, s0;
	s1 =	sshll.u32 s1, $0x11  }
0xbb: {  	s0 =	sor.u32 s1, s0  }
0xbc: {  	s0 =	sadd.s32 $0x8F2B, s0  }
0xbd: {  	[sflag:s0] =	ssyncadd.remote.s32 $0x1  }
0xbe: {  	_ =	sfence.sel $0xFFFF  }
0xbf: {  	[dreg:$0x0] =	wrdreg $0xFFFFFFFF;
	(pc) =	sbr.abs _section_cstart, $3  }
0xc0: {  	[dreg:$0x1] =	wrdreg $0xFFFFFFFF  }
0xc1: {  	_ =	task.clear_ibuf [dreg:s7], $0x2FFFF;
	_ =	strace $0x9FFFFFFF  }
0xc2: {  	(tm) =	ssettm $0x7FFFFFFF  }
0xc3: {  	_ =	shalt  }
tec
execute0_lowered:
.L_overlay_start_1:
0x0: {  	(tag) =	ssettag $0x1  }
0x1: {  	s0 =	srdreg.scid  }
0x2: {  	s8 =	stileid.u32;
	s1 =	rddreg [dreg:$0x0]  }
0x3: {  	s3 =	simm.s32 $0x0;
	s16 =	simm.s32 $0x80;
	s10 =	simm.s32 $0x6400  }
0x4: {  	s11 =	simm.s32 $0x8400;
	s13 =	simm.s32 $0xA400;
	s15 =	simm.s32 $0xC400  }
0x5: {  	s19 =	simm.s32 $0x14400;
	s18 =	simm.s32 $0x5;
	s20 =	simm.s32 $0x6  }
0x6: {  	s17 =	simm.s32 $0x8;
	s28 =	simm.s32 $0x7;
	s2 =	smul.u32 $0xC800, s8  }
0x7: {  	s0 =	sand.u32 $0x1, s0;
	s4 =	sshll.u32 s8, $0x1;
	s8 =	smul.u32 $0x64000, s8  }
0x8: {  	[smem:$0x7FF] =	sst s3;
	s5 =	smul.u32 $0x6400, s0;
	s4 =	sor.u32 s0, s4  }
0x9: {  	_ =	strace $0x80000047;
	s9 =	smul.u32 $0x32000, s0;
	s0 =	ssub.s32 $0x2, s0  }
0xa: {  	s6 =	smul.u32 $0x6400, s4;
	s24 =	sshrl.u32 s0, $0x1;
	s4 =	simm.s32 $0x1  }
0xb: {  	s29 =	sadd.s32 s5, s2;
	s23 =	sadd.s32 s9, s8;
	s0 =	ssub.s32 s0, s24  }
0xc: {  	s2 =	sshll.u32 s29, $0x3;
	[dreg:$0x6] =	wrdreg s23;
	s0 =	smax.u32 s0, $0x1  }
0xd: {  	s5 =	sadd.s32 $0xF42E00, s1;
	s7 =	sor.u32 $0xC00, s2;
	[dreg:$0xc] =	wrdreg s0  }
0xe: {  	s9 =	simm.s32 $0x4;
	s21 =	sor.u32 $0x800, s2;
	[dreg:$0x3] =	wrdreg s7  }
0xf: {  	v0 =	vlaneseq.u32;
	s24 =	simm.s32 $0x10400;
	s22 =	sor.u32 $0x400, s2;
	[dreg:$0x4] =	wrdreg s21  }
0x10: {  	v8 =	vmul.u32 $0x40, v0;
	s6 =	sshrl.u32 s6, $0x3;
	s25 =	sor.u32 $0x1C00, s2;
	[dreg:$0x5] =	wrdreg s22  }
0x11: {  	s23 =	simm.s32 $0x5;
	s26 =	sor.u32 $0x1800, s2;
	[dreg:$0x7] =	wrdreg s25  }
0x12: {  	v3 =	vor.u32 $0x83F, v8;
	s1 =	sadd.s32 s6, s1;
	s30 =	sor.u32 $0x1400, s2;
	[dreg:$0x8] =	wrdreg s26  }
0x13: {  	v4 =	vor.u32 $0xC3F, v8;
	s31 =	sor.u32 $0x1000, s2;
	s6 =	simm.s32 $0x2;
	[dreg:$0x9] =	wrdreg s30  }
0x14: {  	v5 =	vor.u32 $0x103F, v8;
	s2 =	simm.s32 $0x0;
	s1 =	sadd.s32 $0xA00, s1;
	[dreg:$0xa] =	wrdreg s31  }
0x15: {  	v1 =	vor.u32 $0x3F, v8;
	v6 =	vor.u32 $0x143F, v8;
	s7 =	simm.s32 $0x3;
	s22 =	simm.s32 $0xE400;
	s21 =	simm.s32 $0x7  }
0x16: {  	v2 =	vor.u32 $0x43F, v8;
	v7 =	vor.u32 $0x183F, v8;
	v8 =	vor.u32 $0x1C3F, v8;
	s26 =	simm.s32 $0x12400;
	s25 =	simm.s32 $0x6;
	[dreg:$0xb] =	wrdreg s1  }
.LBB2_1:
0x17: {  	[dreg:$0xd] =	wrdreg s2  }
0x18: {  	s0 =	rddreg [dreg:$0xb];
	s1 =	simm.s32 $0x11  }
0x19: {  	[tilespmem:s3], [sflag:$0x11] =	stream.linear.gather [hbm4b:s0+s3], $0x6400, $0x38;
	[tilespmem:$0x16400] =	vst v63  }
0x1a: {  	_ =	swait.ge [sflag:s1], $0x6400  }
0x1b: {  	[sflag:s1] =	ssyncset.done $0x0  }
0x1c: {  	[sflag:s1] =	ssyncadd.s32 $0xFFFF9C00  }
0x1d: {  	[tilespmem:s10], [sflag:$0x1] =	stream.indirect.gather [hbm4b:s5+s16], $0x40, s3, s16, $0xb8;
	[tilespmem:$0x16400] =	vst v63  }
0x1e: {  	s1 =	sadd.s32 $0x0, s29  }
0x1f: {  	[tilespmem:s11], [sflag:$0x2] =	stream.indirect.gather [hbm4b:s5+s16], $0x40, s16, s16, $0xb8;
	[tilespmem:$0x16400] =	vst v63  }
0x20: {  	s2 =	simm.s32 $0x100;
	s12 =	sadd.s32 $0x10, s1  }
0x21: {  	v9 =	vor.u32 s1, v0;
	[tilespmem:s13], [sflag:$0x3] =	stream.indirect.gather [hbm4b:s5+s16], $0x40, s2, s16, $0xb8;
	[tilespmem:$0x16400] =	vst v63  }
0x22: {  	p0 =	por $0x1, $0x1;
	s14 =	sadd.s32 $0x20, s1;
	v10 =	vmulhi.u32 $0x51EB851F, v9;
	v11 =	vor.u32 s12, v0;
	s2 =	sadd.s32 $0x30, s1  }
0x23: {  	s8 =	simm.s32 $0x180;
	v12 =	vor.u32 s14, v0;
	s12 =	sadd.s32 $0x50, s1;
	v13 =	vmulhi.u32 $0x51EB851F, v11;
	v14 =	vor.u32 s2, v0;
	s2 =	simm.s32 @!p0 $0xD  }
0x24: {  	v16 =	vmulhi.u32 $0x51EB851F, v12;
	v17 =	vor.u32 s12, v0;
	[tilespmem:s15], [sflag:$0x4] =	stream.indirect.gather [hbm4b:s5+s16], $0x40, s8, s16, $0xb8;
	[tilespmem:$0x16400] =	vst v63  }
0x25: {  	p1 =	por $0x0, $0x0;
	s0 =	simm.s32 @!p0 $0xE400;
	v10 =	vshrl.u32 v10, $0x6;
	v37 =	vmulhi.u32 $0x51EB851F, v17;
	_ =	swait.ge @!p0 [sflag:s2], $0x2000  }
0x26: {  	s14 =	simm.s32 @!p1 $0x200;
	v10 =	vmul.u32 $0xC8, v10;
	v13 =	vshrl.u32 v13, $0x6;
	v16 =	vshrl.u32 v16, $0x6;
	s8 =	sadd.s32 $0x40, s1;
	[sflag:s2] =	ssyncset.done @!p0 $0x0  }
0x27: {  	v13 =	vmul.u32 $0xC8, v13;
	v18 =	vmulhi.u32 $0x51EB851F, v14;
	v15 =	vor.u32 s8, v0;
	s8 =	simm.s32 @!p0 $0x200;
	[sflag:s2] =	ssyncadd.s32 @!p0 $0xFFFFE000;
	s2 =	simm.s32 @!p0 $0x80  }
0x28: {  	v9 =	vsub.s32 v9, v10;
	v10 =	vmul.u32 $0xC8, v16;
	v16 =	vshrl.u32 v37, $0x6;
	[tilespmem:s0], [sflag:$0x5] =	stream.indirect.gather @!p0 [hbm4b:s5+s2], $0x40, s8, s2, $0xb8;
	[tilespmem:$0x16400] =	vst v63  }
0x29: {  	s12 =	simm.s32 @!p1 $0xE400;
	v9 =	vcvt.s32.f32 v9;
	v19 =	vmulhi.u32 $0x51EB851F, v15;
	v36 =	vshrl.u32 v18, $0x6;
	s8 =	sadd.s32 $0x60, s1;
	s0 =	simm.s32 @!p1 $0x80  }
0x2a: {  	v11 =	vsub.s32 v11, v13;
	v16 =	vmul.u32 $0xC8, v16;
	v13 =	vmul.u32 $0xC8, v36;
	[tilespmem:s12], [sflag:$0x5] =	stream.indirect.gather @!p1 [hbm4b:s5+s0], $0x40, s14, s0, $0xb8;
	[tilespmem:$0x16400] =	vst v63  }
0x2b: {  	v10 =	vsub.s32 v12, v10;
	v12 =	vshrl.u32 v19, $0x6;
	v38 =	vor.u32 s8, v0;
	s14 =	sadd.s32 $0x70, s1;
	_ =	swait.ge [sflag:s4], $0x2000  }
0x2c: {  	v13 =	vsub.s32 v14, v13;
	v14 =	vmulhi.u32 $0x51EB851F, v38;
	v39 =	vor.u32 s14, v0;
	[sflag:s4] =	ssyncset.done $0x0  }
0x2d: {  	v11 =	vcvt.s32.f32 v11;
	v12 =	vmul.u32 $0xC8, v12;
	v20 =	vmulhi.u32 $0x51EB851F, v39;
	[sflag:s4] =	ssyncadd.s32 $0xFFFFE000  }
0x2e: {  	v10 =	vcvt.s32.f32 v10;
	v13 =	vcvt.s32.f32 v13;
	v14 =	vshrl.u32 v14, $0x6;
	[tilespmem:v1+s10+$0x0] =	vst.idx.msk $0xffff, v9  }
0x2f: {  	v9 =	vsub.s32 v15, v12;
	v12 =	vmul.u32 $0xC8, v14;
	v14 =	vshrl.u32 v20, $0x6;
	[tilespmem:v2+s10+$0x0] =	vst.idx.msk $0xffff, v11  }
0x30: {  	v9 =	vcvt.s32.f32 v9;
	v11 =	vsub.s32 v17, v16;
	v14 =	vmul.u32 $0xC8, v14;
	[tilespmem:v3+s10+$0x0] =	vst.idx.msk $0xffff, v10  }
0x31: {  	v10 =	vcvt.s32.f32 v11;
	v11 =	vsub.s32 v38, v12;
	[tilespmem:v4+s10+$0x0] =	vst.idx.msk $0xffff, v13  }
0x32: {  	s12 =	sadd.s32 $0x80, s1;
	v11 =	vcvt.s32.f32 v11;
	v12 =	vsub.s32 v39, v14;
	[tilespmem:v5+s10+$0x0] =	vst.idx.msk $0xffff, v9  }
0x33: {  	s14 =	rddreg [dreg:$0x6];
	v9 =	vor.u32 s12, v0;
	v12 =	vcvt.s32.f32 v12;
	[tilespmem:v6+s10+$0x0] =	vst.idx.msk $0xffff, v10  }
0x34: {  	s8 =	sadd.s32 $0x90, s1;
	s4 =	rddreg [dreg:$0x1];
	v10 =	vmulhi.u32 $0x51EB851F, v9;
	[tilespmem:v7+s10+$0x0] =	vst.idx.msk $0xffff, v11  }
0x35: {  	s12 =	sadd.s32 s4, s14;
	s14 =	simm.s32 @!p0 $0xE;
	v11 =	vor.u32 s8, v0;
	s8 =	sadd.s32 $0xB0, s1;
	[tilespmem:v8+s10+$0x0] =	vst.idx.msk $0xffff, v12  }
0x36: {  	v10 =	vshrl.u32 v10, $0x6;
	v12 =	vmulhi.u32 $0x51EB851F, v11;
	[hbm4b:s12+s3] =	stream.linear.scatter [tilespmem:s10], [sflag:$0x9], $0x2000, $0x38;
	[tilespmem:$0x16400] =	vst v63  }
0x37: {  	v14 =	vor.u32 s8, v0;
	v10 =	vmul.u32 $0xC8, v10;
	s12 =	sadd.s32 $0xA0, s1;
	_ =	swait.ge @!p0 [sflag:s14], $0x2000  }
0x38: {  	v15 =	vmulhi.u32 $0x51EB851F, v14;
	v13 =	vor.u32 s12, v0;
	s12 =	simm.s32 @!p0 $0x10400;
	v12 =	vshrl.u32 v12, $0x6;
	[sflag:s14] =	ssyncset.done @!p0 $0x0  }
0x39: {  	v9 =	vsub.s32 v9, v10;
	v10 =	vmulhi.u32 $0x51EB851F, v13;
	v12 =	vmul.u32 $0xC8, v12;
	[sflag:s14] =	ssyncadd.s32 @!p0 $0xFFFFE000;
	s14 =	simm.s32 @!p0 $0x280  }
0x3a: {  	v15 =	vshrl.u32 v15, $0x6;
	v9 =	vcvt.s32.f32 v9;
	[tilespmem:s12], [sflag:$0x6] =	stream.indirect.gather @!p0 [hbm4b:s5+s2], $0x40, s14, s2, $0xb8;
	[tilespmem:$0x16400] =	vst v63  }
0x3b: {  	s12 =	sadd.s32 $0xC0, s1;
	v10 =	vshrl.u32 v10, $0x6;
	s14 =	sadd.s32 $0xD0, s1;
	v11 =	vsub.s32 v11, v12;
	v12 =	vmul.u32 $0xC8, v15  }
0x3c: {  	s8 =	simm.s32 @!p1 $0x280;
	v40 =	vor.u32 s12, v0;
	v10 =	vmul.u32 $0xC8, v10;
	v42 =	vor.u32 s14, v0;
	s12 =	simm.s32 @!p1 $0x10400;
	s14 =	sadd.s32 $0xF0, s1  }
0x3d: {  	v11 =	vcvt.s32.f32 v11;
	v41 =	vmulhi.u32 $0x51EB851F, v40;
	[tilespmem:s12], [sflag:$0x6] =	stream.indirect.gather @!p1 [hbm4b:s5+s0], $0x40, s8, s0, $0xb8;
	v12 =	vsub.s32 v14, v12;
	[tilespmem:$0x16400] =	vst v63  }
0x3e: {  	s12 =	sadd.s32 $0xE0, s1;
	v14 =	vmulhi.u32 $0x51EB851F, v42;
	v44 =	vor.u32 s14, v0;
	v10 =	vsub.s32 v13, v10  }
0x3f: {  	v15 =	vor.u32 s12, v0;
	_ =	swait.ge [sflag:s6], $0x2000;
	v45 =	vmulhi.u32 $0x51EB851F, v44;
	v13 =	vshrl.u32 v41, $0x6  }
0x40: {  	v43 =	vmulhi.u32 $0x51EB851F, v15;
	[sflag:s6] =	ssyncset.done $0x0;
	v14 =	vshrl.u32 v14, $0x6;
	v13 =	vmul.u32 $0xC8, v13  }
0x41: {  	v12 =	vcvt.s32.f32 v12;
	v10 =	vcvt.s32.f32 v10;
	[sflag:s6] =	ssyncadd.s32 $0xFFFFE000;
	v14 =	vmul.u32 $0xC8, v14  }
0x42: {  	s14 =	sadd.s32 $0x100, s1;
	v47 =	vshrl.u32 v45, $0x6;
	v46 =	vshrl.u32 v43, $0x6;
	[tilespmem:v1+s11+$0x0] =	vst.idx.msk $0xffff, v9;
	v13 =	vsub.s32 v40, v13  }
0x43: {  	[tilespmem:v2+s11+$0x0] =	vst.idx.msk $0xffff, v11;
	v11 =	vor.u32 s14, v0;
	v9 =	vcvt.s32.f32 v13;
	v13 =	vmul.u32 $0xC8, v46  }
0x44: {  	v16 =	vmul.u32 $0xC8, v47;
	v14 =	vsub.s32 v42, v14;
	[tilespmem:v3+s11+$0x0] =	vst.idx.msk $0xffff, v10;
	v10 =	vmulhi.u32 $0x51EB851F, v11  }
0x45: {  	v14 =	vcvt.s32.f32 v14;
	[tilespmem:v4+s11+$0x0] =	vst.idx.msk $0xffff, v12;
	v13 =	vsub.s32 v15, v13  }
0x46: {  	s6 =	sadd.s32 $0x110, s1;
	s14 =	sadd.s32 $0x120, s1;
	[tilespmem:v5+s11+$0x0] =	vst.idx.msk $0xffff, v9;
	v9 =	vshrl.u32 v10, $0x6;
	v12 =	vcvt.s32.f32 v13;
	v13 =	vsub.s32 v44, v16  }
0x47: {  	[tilespmem:v6+s11+$0x0] =	vst.idx.msk $0xffff, v14;
	v14 =	vor.u32 s14, v0;
	s14 =	sadd.s32 $0x140, s1;
	v10 =	vcvt.s32.f32 v13;
	v13 =	vor.u32 s6, v0  }
0x48: {  	v9 =	vmul.u32 $0xC8, v9;
	v48 =	vor.u32 s14, v0;
	[tilespmem:v7+s11+$0x0] =	vst.idx.msk $0xffff, v12;
	v12 =	vmulhi.u32 $0x51EB851F, v13  }
0x49: {  	s8 =	rddreg [dreg:$0x5];
	s6 =	sadd.s32 $0x130, s1;
	v49 =	vmulhi.u32 $0x51EB851F, v48  }
0x4a: {  	s12 =	simm.s32 @!p0 $0xF;
	s8 =	sadd.s32 s4, s8;
	s14 =	sadd.s32 $0x170, s1;
	v9 =	vsub.s32 v11, v9;
	v11 =	vor.u32 s6, v0;
	[tilespmem:v8+s11+$0x0] =	vst.idx.msk $0xffff, v10;
	v10 =	vmulhi.u32 $0x51EB851F, v14  }
0x4b: {  	v52 =	vor.u32 s14, v0;
	v15 =	vmulhi.u32 $0x51EB851F, v11;
	[hbm4b:s8+s3] =	stream.linear.scatter [tilespmem:s11], [sflag:$0xA], $0x2000, $0x38;
	v12 =	vshrl.u32 v12, $0x6;
	[tilespmem:$0x16400] =	vst v63  }
0x4c: {  	v9 =	vcvt.s32.f32 v9;
	v12 =	vmul.u32 $0xC8, v12;
	v10 =	vshrl.u32 v10, $0x6;
	_ =	swait.ge @!p0 [sflag:s12], $0x2000  }
0x4d: {  	s6 =	sadd.s32 $0x150, s1;
	v53 =	vmulhi.u32 $0x51EB851F, v52;
	s8 =	simm.s32 @!p0 $0x300;
	v15 =	vshrl.u32 v15, $0x6;
	v10 =	vmul.u32 $0xC8, v10;
	[sflag:s12] =	ssyncset.done @!p0 $0x0  }
0x4e: {  	v12 =	vsub.s32 v13, v12;
	v13 =	vmul.u32 $0xC8, v15;
	v15 =	vor.u32 s6, v0;
	[sflag:s12] =	ssyncadd.s32 @!p0 $0xFFFFE000;
	s12 =	simm.s32 @!p0 $0x12400;
	s6 =	sadd.s32 $0x190, s1  }
0x4f: {  	v19 =	vshrl.u32 v53, $0x6;
	v12 =	vcvt.s32.f32 v12;
	v10 =	vsub.s32 v14, v10;
	[tilespmem:s12], [sflag:$0x7] =	stream.indirect.gather @!p0 [hbm4b:s5+s2], $0x40, s8, s2, $0xb8;
	[tilespmem:$0x16400] =	vst v63  }
0x50: {  	v14 =	vshrl.u32 v49, $0x6;
	s12 =	sadd.s32 $0x160, s1;
	v55 =	vor.u32 s6, v0;
	v11 =	vsub.s32 v11, v13  }
0x51: {  	s8 =	simm.s32 @!p1 $0x300;
	s2 =	sadd.s32 $0x180, s1;
	v13 =	vmul.u32 $0xC8, v14;
	v14 =	vmulhi.u32 $0x51EB851F, v15;
	v50 =	vor.u32 s12, v0;
	s12 =	simm.s32 @!p1 $0x12400  }
0x52: {  	v10 =	vcvt.s32.f32 v10;
	v54 =	vor.u32 s2, v0;
	v51 =	vmulhi.u32 $0x51EB851F, v50;
	[tilespmem:s12], [sflag:$0x7] =	stream.indirect.gather @!p1 [hbm4b:s5+s0], $0x40, s8, s0, $0xb8;
	[tilespmem:$0x16400] =	vst v63  }
0x53: {  	v11 =	vcvt.s32.f32 v11;
	v21 =	vmulhi.u32 $0x51EB851F, v54;
	v14 =	vshrl.u32 v14, $0x6;
	_ =	swait.ge [sflag:s7], $0x2000  }
0x54: {  	v13 =	vsub.s32 v48, v13;
	v14 =	vmul.u32 $0xC8, v14;
	v16 =	vshrl.u32 v51, $0x6;
	[sflag:s7] =	ssyncset.done $0x0;
	s14 =	rddreg [dreg:$0x4]  }
0x55: {  	v13 =	vcvt.s32.f32 v13;
	v56 =	vshrl.u32 v21, $0x6;
	v16 =	vmul.u32 $0xC8, v16;
	[sflag:s7] =	ssyncadd.s32 $0xFFFFE000;
	s0 =	sadd.s32 s4, s14;
	s14 =	sadd.s32 $0x1F0, s1  }
0x56: {  	v14 =	vsub.s32 v15, v14;
	v15 =	vmul.u32 $0xC8, v19;
	[tilespmem:v1+s13+$0x0] =	vst.idx.msk $0xffff, v9;
	v61 =	vor.u32 s14, v0  }
0x57: {  	v9 =	vcvt.s32.f32 v14;
	v14 =	vsub.s32 v50, v16;
	[tilespmem:v2+s13+$0x0] =	vst.idx.msk $0xffff, v12;
	v62 =	vmulhi.u32 $0x51EB851F, v61  }
0x58: {  	s8 =	sadd.s32 $0x1A0, s1;
	v12 =	vcvt.s32.f32 v14;
	v14 =	vsub.s32 v52, v15;
	v15 =	vmul.u32 $0xC8, v56;
	[tilespmem:v3+s13+$0x0] =	vst.idx.msk $0xffff, v10  }
0x59: {  	s12 =	sadd.s32 $0x1B0, s1;
	v57 =	vor.u32 s8, v0;
	v10 =	vcvt.s32.f32 v14;
	v14 =	vmulhi.u32 $0x51EB851F, v55;
	[tilespmem:v4+s13+$0x0] =	vst.idx.msk $0xffff, v11  }
0x5a: {  	v58 =	vor.u32 s12, v0;
	v11 =	vsub.s32 v54, v15;
	v15 =	vmulhi.u32 $0x51EB851F, v57;
	[tilespmem:v5+s13+$0x0] =	vst.idx.msk $0xffff, v13  }
0x5b: {  	s6 =	sadd.s32 $0x1C0, s1;
	v19 =	vshrl.u32 v62, $0x6;
	v13 =	vshrl.u32 v14, $0x6;
	v14 =	vmulhi.u32 $0x51EB851F, v58;
	[tilespmem:v6+s13+$0x0] =	vst.idx.msk $0xffff, v9  }
0x5c: {  	p0 =	por $0x1, $0x1;
	v9 =	vmul.u32 $0xC8, v13;
	v13 =	vshrl.u32 v15, $0x6;
	v15 =	vor.u32 s6, v0;
	[tilespmem:v7+s13+$0x0] =	vst.idx.msk $0xffff, v12  }
0x5d: {  	s8 =	simm.s32 @!p0 $0x10;
	s12 =	sadd.s32 $0x1E0, s1;
	s6 =	sadd.s32 $0x200, s1;
	v12 =	vmul.u32 $0xC8, v13;
	v13 =	vshrl.u32 v14, $0x6;
	v14 =	vmulhi.u32 $0x51EB851F, v15;
	[tilespmem:v8+s13+$0x0] =	vst.idx.msk $0xffff, v10  }
0x5e: {  	v60 =	vor.u32 s12, v0;
	v25 =	vmul.u32 $0xC8, v19;
	v11 =	vcvt.s32.f32 v11;
	[hbm4b:s0+s3] =	stream.linear.scatter [tilespmem:s13], [sflag:$0xB], $0x2000, $0x38;
	[tilespmem:$0x16400] =	vst v63  }
0x5f: {  	s7 =	sadd.s32 $0x1D0, s1;
	v63 =	vor.u32 s6, v0;
	v10 =	vmul.u32 $0xC8, v13;
	v14 =	vshrl.u32 v14, $0x6;
	_ =	swait.ge @!p0 [sflag:s8], $0x2000  }
0x60: {  	s2 =	simm.s32 @!p0 $0x380;
	s6 =	sadd.s32 $0x270, s1;
	v13 =	vor.u32 s7, v0;
	v24 =	vmulhi.u32 $0x51EB851F, v63;
	v14 =	vmul.u32 $0xC8, v14;
	[sflag:s8] =	ssyncset.done @!p0 $0x0  }
0x61: {  	s2 =	simm.s32 @p0 $0x380;
	v9 =	vsub.s32 v55, v9;
	s7 =	sadd.s32 $0x210, s1;
	v31 =	vor.u32 s6, v0;
	v59 =	vmulhi.u32 $0x51EB851F, v13;
	[sflag:s8] =	ssyncadd.s32 @!p0 $0xFFFFE000  }
0x62: {  	v9 =	vcvt.s32.f32 v9;
	v14 =	vsub.s32 v15, v14;
	v15 =	vmulhi.u32 $0x51EB851F, v60;
	[tilespmem:s19], [sflag:$0x8] =	stream.indirect.gather [hbm4b:s5+s16], $0x40, s2, s16, $0xb8;
	[tilespmem:$0x16400] =	vst v63  }
0x63: {  	v12 =	vsub.s32 v57, v12;
	v26 =	vor.u32 s7, v0;
	v16 =	vshrl.u32 v59, $0x6;
	_ =	swait.ge [sflag:s9], $0x2000  }
0x64: {  	v32 =	vmulhi.u32 $0x51EB851F, v31;
	v16 =	vmul.u32 $0xC8, v16;
	v15 =	vshrl.u32 v15, $0x6;
	[sflag:s9] =	ssyncset.done $0x0  }
0x65: {  	v12 =	vcvt.s32.f32 v12;
	v10 =	vsub.s32 v58, v10;
	v15 =	vmul.u32 $0xC8, v15;
	[sflag:s9] =	ssyncadd.s32 $0xFFFFE000  }
0x66: {  	v10 =	vcvt.s32.f32 v10;
	v14 =	vcvt.s32.f32 v14;
	v13 =	vsub.s32 v13, v16;
	[tilespmem:v1+s15+$0x0] =	vst.idx.msk $0xffff, v11  }
0x67: {  	v11 =	vcvt.s32.f32 v13;
	v13 =	vsub.s32 v60, v15;
	v15 =	vshrl.u32 v24, $0x6;
	[tilespmem:v2+s15+$0x0] =	vst.idx.msk $0xffff, v9  }
0x68: {  	s8 =	sadd.s32 $0x220, s1;
	v9 =	vcvt.s32.f32 v13;
	v13 =	vsub.s32 v61, v25;
	v15 =	vmul.u32 $0xC8, v15;
	[tilespmem:v3+s15+$0x0] =	vst.idx.msk $0xffff, v12  }
0x69: {  	v27 =	vor.u32 s8, v0;
	s9 =	sadd.s32 $0x230, s1;
	v12 =	vcvt.s32.f32 v13;
	v13 =	vmulhi.u32 $0x51EB851F, v26;
	[tilespmem:v4+s15+$0x0] =	vst.idx.msk $0xffff, v10  }
0x6a: {  	s7 =	sadd.s32 $0x280, s1;
	v28 =	vor.u32 s9, v0;
	v10 =	vsub.s32 v63, v15;
	v15 =	vmulhi.u32 $0x51EB851F, v27;
	[tilespmem:v5+s15+$0x0] =	vst.idx.msk $0xffff, v14  }
0x6b: {  	s14 =	sadd.s32 $0x240, s1;
	v33 =	vor.u32 s7, v0;
	v14 =	vmulhi.u32 $0x51EB851F, v28;
	v13 =	vshrl.u32 v13, $0x6;
	[tilespmem:v6+s15+$0x0] =	vst.idx.msk $0xffff, v11  }
0x6c: {  	p0 =	por $0x0, $0x0;
	s12 =	rddreg [dreg:$0x3];
	v11 =	vmul.u32 $0xC8, v13;
	v13 =	vshrl.u32 v15, $0x6;
	v15 =	vor.u32 s14, v0;
	[tilespmem:v7+s15+$0x0] =	vst.idx.msk $0xffff, v9  }
0x6d: {  	s7 =	sadd.s32 $0x2F0, s1;
	s8 =	simm.s32 @!p0 $0x9;
	s0 =	sadd.s32 s4, s12;
	v9 =	vmul.u32 $0xC8, v13;
	v13 =	vshrl.u32 v14, $0x6;
	v14 =	vmulhi.u32 $0x51EB851F, v15;
	[tilespmem:v8+s15+$0x0] =	vst.idx.msk $0xffff, v12  }
0x6e: {  	v19 =	vshrl.u32 v32, $0x6;
	v34 =	vmulhi.u32 $0x51EB851F, v33;
	v41 =	vor.u32 s7, v0;
	[hbm4b:s0+s3] =	stream.linear.scatter [tilespmem:s15], [sflag:$0xC], $0x2000, $0x38;
	[tilespmem:$0x16400] =	vst v63  }
0x6f: {  	s16 =	sadd.s32 $0x250, s1;
	v35 =	vmul.u32 $0xC8, v19;
	v42 =	vmulhi.u32 $0x51EB851F, v41;
	v14 =	vshrl.u32 v14, $0x6;
	_ =	swait.ge @!p0 [sflag:s8], $0x2000  }
0x70: {  	s2 =	sadd.s32 $0x260, s1;
	s12 =	simm.s32 @!p0 $0x6400;
	v12 =	vmul.u32 $0xC8, v13;
	v13 =	vor.u32 s16, v0;
	v14 =	vmul.u32 $0xC8, v14;
	[sflag:s8] =	ssyncset.done @!p0 $0x0  }
0x71: {  	v30 =	vor.u32 s2, v0;
	v10 =	vcvt.s32.f32 v10;
	s14 =	simm.s32 @!p0 $0x400;
	s0 =	simm.s32 @!p0 $0x80;
	v29 =	vmulhi.u32 $0x51EB851F, v13;
	[sflag:s8] =	ssyncadd.s32 @!p0 $0xFFFFE000  }
0x72: {  	v11 =	vsub.s32 v26, v11;
	v14 =	vsub.s32 v15, v14;
	v15 =	vmulhi.u32 $0x51EB851F, v30;
	[tilespmem:s12], [sflag:$0x1] =	stream.indirect.gather @!p0 [hbm4b:s5+s0], $0x40, s14, s0, $0xb8;
	[tilespmem:$0x16400] =	vst v63  }
0x73: {  	v11 =	vcvt.s32.f32 v11;
	v9 =	vsub.s32 v27, v9;
	v16 =	vshrl.u32 v29, $0x6;
	_ =	swait.ge [sflag:s18], $0x2000  }
0x74: {  	v12 =	vsub.s32 v28, v12;
	v16 =	vmul.u32 $0xC8, v16;
	v15 =	vshrl.u32 v15, $0x6;
	[sflag:s18] =	ssyncset.done $0x0  }
0x75: {  	v9 =	vcvt.s32.f32 v9;
	v12 =	vcvt.s32.f32 v12;
	s8 =	sadd.s32 $0x290, s1;
	v15 =	vmul.u32 $0xC8, v15;
	[sflag:s18] =	ssyncadd.s32 $0xFFFFE000  }
0x76: {  	v36 =	vor.u32 s8, v0;
	v14 =	vcvt.s32.f32 v14;
	v13 =	vsub.s32 v13, v16;
	[tilespmem:v1+s22+$0x0] =	vst.idx.msk $0xffff, v10  }
0x77: {  	v10 =	vcvt.s32.f32 v13;
	v13 =	vsub.s32 v30, v15;
	v15 =	vshrl.u32 v34, $0x6;
	[tilespmem:v2+s22+$0x0] =	vst.idx.msk $0xffff, v11  }
0x78: {  	s9 =	sadd.s32 $0x2A0, s1;
	v11 =	vcvt.s32.f32 v13;
	v13 =	vsub.s32 v31, v35;
	v15 =	vmul.u32 $0xC8, v15;
	[tilespmem:v3+s22+$0x0] =	vst.idx.msk $0xffff, v9  }
0x79: {  	v37 =	vor.u32 s9, v0;
	s12 =	sadd.s32 $0x2B0, s1;
	v9 =	vcvt.s32.f32 v13;
	v13 =	vmulhi.u32 $0x51EB851F, v36;
	[tilespmem:v4+s22+$0x0] =	vst.idx.msk $0xffff, v12  }
0x7a: {  	v38 =	vor.u32 s12, v0;
	v12 =	vsub.s32 v33, v15;
	v15 =	vmulhi.u32 $0x51EB851F, v37;
	[tilespmem:v5+s22+$0x0] =	vst.idx.msk $0xffff, v14  }
0x7b: {  	s16 =	sadd.s32 $0x2C0, s1;
	v14 =	vmulhi.u32 $0x51EB851F, v38;
	v13 =	vshrl.u32 v13, $0x6;
	[tilespmem:v6+s22+$0x0] =	vst.idx.msk $0xffff, v10  }
0x7c: {  	s14 =	rddreg [dreg:$0xa];
	v10 =	vmul.u32 $0xC8, v13;
	v13 =	vshrl.u32 v15, $0x6;
	v15 =	vor.u32 s16, v0;
	[tilespmem:v7+s22+$0x0] =	vst.idx.msk $0xffff, v11  }
0x7d: {  	s8 =	sadd.s32 $0x300, s1;
	s12 =	simm.s32 @!p0 $0xA;
	s2 =	sadd.s32 s4, s14;
	v11 =	vmul.u32 $0xC8, v13;
	v13 =	vshrl.u32 v14, $0x6;
	v14 =	vmulhi.u32 $0x51EB851F, v15;
	[tilespmem:v8+s22+$0x0] =	vst.idx.msk $0xffff, v9  }
0x7e: {  	v19 =	vshrl.u32 v42, $0x6;
	v43 =	vor.u32 s8, v0;
	[hbm4b:s2+s3] =	stream.linear.scatter [tilespmem:s22], [sflag:$0xD], $0x2000, $0x38;
	[tilespmem:$0x16400] =	vst v63  }
0x7f: {  	v44 =	vmulhi.u32 $0x51EB851F, v43;
	s18 =	sadd.s32 $0x2D0, s1;
	v9 =	vsub.s32 v36, v10;
	v14 =	vshrl.u32 v14, $0x6;
	_ =	swait.ge @!p0 [sflag:s12], $0x2000  }
0x80: {  	s6 =	sadd.s32 $0x2E0, s1;
	s9 =	sadd.s32 $0x310, s1;
	v10 =	vmul.u32 $0xC8, v13;
	v13 =	vor.u32 s18, v0;
	v14 =	vmul.u32 $0xC8, v14;
	[sflag:s12] =	ssyncset.done @!p0 $0x0  }
0x81: {  	v40 =	vor.u32 s6, v0;
	v45 =	vmul.u32 $0xC8, v19;
	s2 =	simm.s32 @!p0 $0x480;
	v39 =	vmulhi.u32 $0x51EB851F, v13;
	[sflag:s12] =	ssyncadd.s32 @!p0 $0xFFFFE000;
	s12 =	simm.s32 @!p0 $0x8400  }
0x82: {  	v46 =	vor.u32 s9, v0;
	v14 =	vsub.s32 v15, v14;
	v15 =	vmulhi.u32 $0x51EB851F, v40;
	[tilespmem:s12], [sflag:$0x2] =	stream.indirect.gather @!p0 [hbm4b:s5+s0], $0x40, s2, s0, $0xb8;
	[tilespmem:$0x16400] =	vst v63  }
0x83: {  	v12 =	vcvt.s32.f32 v12;
	v9 =	vcvt.s32.f32 v9;
	v16 =	vshrl.u32 v39, $0x6;
	_ =	swait.ge [sflag:s20], $0x2000  }
0x84: {  	v11 =	vsub.s32 v37, v11;
	v16 =	vmul.u32 $0xC8, v16;
	v15 =	vshrl.u32 v15, $0x6;
	[sflag:s20] =	ssyncset.done $0x0  }
0x85: {  	v11 =	vcvt.s32.f32 v11;
	v10 =	vsub.s32 v38, v10;
	v15 =	vmul.u32 $0xC8, v15;
	[sflag:s20] =	ssyncadd.s32 $0xFFFFE000  }
0x86: {  	v10 =	vcvt.s32.f32 v10;
	v14 =	vcvt.s32.f32 v14;
	v13 =	vsub.s32 v13, v16;
	[tilespmem:v1+s24+$0x0] =	vst.idx.msk $0xffff, v12  }
0x87: {  	v12 =	vcvt.s32.f32 v13;
	v13 =	vsub.s32 v40, v15;
	v15 =	vshrl.u32 v44, $0x6;
	[tilespmem:v2+s24+$0x0] =	vst.idx.msk $0xffff, v9  }
0x88: {  	s12 =	sadd.s32 $0x320, s1;
	v9 =	vcvt.s32.f32 v13;
	v13 =	vsub.s32 v41, v45;
	v15 =	vmul.u32 $0xC8, v15;
	[tilespmem:v3+s24+$0x0] =	vst.idx.msk $0xffff, v11  }
0x89: {  	s7 =	sadd.s32 $0x370, s1;
	v47 =	vor.u32 s12, v0;
	v11 =	vcvt.s32.f32 v13;
	v13 =	vmulhi.u32 $0x51EB851F, v46;
	[tilespmem:v4+s24+$0x0] =	vst.idx.msk $0xffff, v10  }
0x8a: {  	v51 =	vor.u32 s7, v0;
	s14 =	sadd.s32 $0x330, s1;
	v10 =	vsub.s32 v43, v15;
	v15 =	vmulhi.u32 $0x51EB851F, v47;
	[tilespmem:v5+s24+$0x0] =	vst.idx.msk $0xffff, v14  }
0x8b: {  	s6 =	sadd.s32 $0x360, s1;
	v52 =	vmulhi.u32 $0x51EB851F, v51;
	v48 =	vor.u32 s14, v0;
	v13 =	vshrl.u32 v13, $0x6;
	[tilespmem:v6+s24+$0x0] =	vst.idx.msk $0xffff, v12  }
0x8c: {  	s9 =	sadd.s32 $0x390, s1;
	s18 =	sadd.s32 $0x340, s1;
	s16 =	rddreg [dreg:$0x9];
	v14 =	vmulhi.u32 $0x51EB851F, v48;
	v12 =	vmul.u32 $0xC8, v13;
	v13 =	vshrl.u32 v15, $0x6;
	[tilespmem:v7+s24+$0x0] =	vst.idx.msk $0xffff, v9  }
0x8d: {  	v50 =	vor.u32 s6, v0;
	s8 =	sadd.s32 $0x380, s1;
	s12 =	simm.s32 @!p0 $0xB;
	s2 =	sadd.s32 s4, s16;
	v15 =	vor.u32 s18, v0;
	v9 =	vmul.u32 $0xC8, v13;
	[tilespmem:v8+s24+$0x0] =	vst.idx.msk $0xffff, v11  }
0x8e: {  	v19 =	vshrl.u32 v52, $0x6;
	v13 =	vshrl.u32 v14, $0x6;
	v14 =	vmulhi.u32 $0x51EB851F, v15;
	[hbm4b:s2+s3] =	stream.linear.scatter [tilespmem:s24], [sflag:$0xE], $0x2000, $0x38;
	[tilespmem:$0x16400] =	vst v63  }
0x8f: {  	v55 =	vmul.u32 $0xC8, v19;
	v56 =	vor.u32 s9, v0;
	v53 =	vor.u32 s8, v0;
	_ =	swait.ge @!p0 [sflag:s12], $0x2000  }
0x90: {  	v54 =	vmulhi.u32 $0x51EB851F, v53;
	s14 =	sadd.s32 $0x3B0, s1;
	s20 =	sadd.s32 $0x350, s1;
	v11 =	vsub.s32 v46, v12;
	v14 =	vshrl.u32 v14, $0x6;
	[sflag:s12] =	ssyncset.done @!p0 $0x0  }
0x91: {  	v12 =	vmul.u32 $0xC8, v13;
	v13 =	vor.u32 s20, v0;
	s2 =	simm.s32 @!p0 $0x500;
	v14 =	vmul.u32 $0xC8, v14;
	[sflag:s12] =	ssyncadd.s32 @!p0 $0xFFFFE000;
	s12 =	simm.s32 @!p0 $0xA400  }
0x92: {  	v58 =	vor.u32 s14, v0;
	v10 =	vcvt.s32.f32 v10;
	v49 =	vmulhi.u32 $0x51EB851F, v13;
	[tilespmem:s12], [sflag:$0x3] =	stream.indirect.gather @!p0 [hbm4b:s5+s0], $0x40, s2, s0, $0xb8;
	[tilespmem:$0x16400] =	vst v63  }
0x93: {  	s20 =	sadd.s32 $0x3D0, s1;
	v11 =	vcvt.s32.f32 v11;
	v14 =	vsub.s32 v15, v14;
	v15 =	vmulhi.u32 $0x51EB851F, v50;
	_ =	swait.ge [sflag:s21], $0x2000  }
0x94: {  	v9 =	vsub.s32 v47, v9;
	v59 =	vor.u32 s20, v0;
	v16 =	vshrl.u32 v49, $0x6;
	[sflag:s21] =	ssyncset.done $0x0  }
0x95: {  	v12 =	vsub.s32 v48, v12;
	v16 =	vmul.u32 $0xC8, v16;
	v15 =	vshrl.u32 v15, $0x6;
	[sflag:s21] =	ssyncadd.s32 $0xFFFFE000  }
0x96: {  	v9 =	vcvt.s32.f32 v9;
	v12 =	vcvt.s32.f32 v12;
	s12 =	sadd.s32 $0x3A0, s1;
	v15 =	vmul.u32 $0xC8, v15;
	[tilespmem:v1+s26+$0x0] =	vst.idx.msk $0xffff, v10  }
0x97: {  	v14 =	vcvt.s32.f32 v14;
	v57 =	vor.u32 s12, v0;
	v13 =	vsub.s32 v13, v16;
	[tilespmem:v2+s26+$0x0] =	vst.idx.msk $0xffff, v11  }
0x98: {  	v10 =	vcvt.s32.f32 v13;
	v13 =	vsub.s32 v50, v15;
	v15 =	vshrl.u32 v54, $0x6;
	[tilespmem:v3+s26+$0x0] =	vst.idx.msk $0xffff, v9  }
0x99: {  	s21 =	sadd.s32 $0x3E0, s1;
	v11 =	vcvt.s32.f32 v13;
	v13 =	vsub.s32 v51, v55;
	v15 =	vmul.u32 $0xC8, v15;
	[tilespmem:v4+s26+$0x0] =	vst.idx.msk $0xffff, v12  }
0x9a: {  	s18 =	sadd.s32 $0x3C0, s1;
	s1 =	sadd.s32 $0x3F0, s1;
	v60 =	vor.u32 s21, v0;
	v9 =	vcvt.s32.f32 v13;
	v13 =	vmulhi.u32 $0x51EB851F, v56;
	[tilespmem:v5+s26+$0x0] =	vst.idx.msk $0xffff, v14  }
0x9b: {  	v61 =	vor.u32 s1, v0;
	v12 =	vsub.s32 v53, v15;
	v15 =	vmulhi.u32 $0x51EB851F, v57;
	[tilespmem:v6+s26+$0x0] =	vst.idx.msk $0xffff, v10  }
0x9c: {  	s16 =	rddreg [dreg:$0x8];
	v14 =	vcvt.s32.f32 v12;
	v12 =	vshrl.u32 v13, $0x6;
	v13 =	vmulhi.u32 $0x51EB851F, v58;
	[tilespmem:v7+s26+$0x0] =	vst.idx.msk $0xffff, v11  }
0x9d: {  	s12 =	simm.s32 @!p0 $0xC;
	s2 =	sadd.s32 s4, s16;
	v62 =	vmulhi.u32 $0x51EB851F, v61;
	v10 =	vmul.u32 $0xC8, v12;
	v12 =	vshrl.u32 v15, $0x6;
	[tilespmem:v8+s26+$0x0] =	vst.idx.msk $0xffff, v9  }
0x9e: {  	v15 =	vor.u32 s18, v0;
	v11 =	vshrl.u32 v13, $0x6;
	v9 =	vmul.u32 $0xC8, v12;
	[hbm4b:s2+s3] =	stream.linear.scatter [tilespmem:s26], [sflag:$0xF], $0x2000, $0x38;
	[tilespmem:$0x16400] =	vst v63  }
0x9f: {  	v13 =	vmulhi.u32 $0x51EB851F, v15;
	v10 =	vsub.s32 v56, v10;
	v11 =	vmul.u32 $0xC8, v11;
	_ =	swait.ge @!p0 [sflag:s12], $0x2000  }
0xa0: {  	v19 =	vcvt.s32.f32 v10;
	v10 =	vmulhi.u32 $0x51EB851F, v59;
	v9 =	vsub.s32 v57, v9;
	[sflag:s12] =	ssyncset.done @!p0 $0x0  }
0xa1: {  	s8 =	simm.s32 $0x580;
	s1 =	simm.s32 @!p0 $0xC400;
	v12 =	vmulhi.u32 $0x51EB851F, v60;
	v13 =	vshrl.u32 v13, $0x6;
	v9 =	vcvt.s32.f32 v9;
	[sflag:s12] =	ssyncadd.s32 @!p0 $0xFFFFE000  }
0xa2: {  	v11 =	vsub.s32 v58, v11;
	v13 =	vmul.u32 $0xC8, v13;
	v10 =	vshrl.u32 v10, $0x6;
	[tilespmem:s1], [sflag:$0x4] =	stream.indirect.gather @!p0 [hbm4b:s5+s0], $0x40, s8, s0, $0xb8;
	[tilespmem:$0x16400] =	vst v63  }
0xa3: {  	v63 =	vmul.u32 $0xC8, v10;
	v10 =	vshrl.u32 v12, $0x6;
	v12 =	vshrl.u32 v62, $0x6;
	_ =	swait.ge [sflag:s17], $0x2000  }
0xa4: {  	v13 =	vsub.s32 v15, v13;
	v15 =	vmul.u32 $0xC8, v10;
	v21 =	vmul.u32 $0xC8, v12;
	[sflag:s17] =	ssyncset.done $0x0  }
0xa5: {  	s30 =	simm.s32 $0xFFFFFFF8;
	s31 =	simm.s32 $0x400;
	v10 =	vcvt.s32.f32 v11;
	v11 =	vcvt.s32.f32 v13;
	v12 =	vsub.s32 v59, v63;
	[sflag:s17] =	ssyncadd.s32 $0xFFFFE000  }
0xa6: {  	s20 =	simm.s32 $0x3;
	s21 =	simm.s32 $0x4;
	s18 =	simm.s32 $0x2;
	v12 =	vcvt.s32.f32 v12;
	v13 =	vsub.s32 v60, v15;
	v15 =	vsub.s32 v61, v21;
	[tilespmem:v1+s19+$0x0] =	vst.idx.msk $0xffff, v14  }
0xa7: {  	s2 =	smov.u32 s4;
	s12 =	rddreg [dreg:$0x7];
	s17 =	simm.s32 $0x8;
	v14 =	vcvt.s32.f32 v13;
	v13 =	vcvt.s32.f32 v15;
	[tilespmem:v2+s19+$0x0] =	vst.idx.msk $0xffff, v19  }
.LBB2_2:
0xa8: {  	[tilespmem:v3+s19+$0x0] =	vst.idx.msk $0xffff, v9  }
0xa9: {  	s1 =	sadd.s32 s31, s29;
	s0 =	smov.u32 s31;
	[tilespmem:v4+s19+$0x0] =	vst.idx.msk $0xffff, v10  }
0xaa: {  	s30 =	sadd.s32 $0x8, s30;
	s16 =	sadd.s32 s2, s12;
	s8 =	sadd.s32 $0x400, s8;
	[tilespmem:v5+s19+$0x0] =	vst.idx.msk $0xffff, v11  }
0xab: {  	v9 =	vor.u32 s1, v0;
	s14 =	sadd.s32 $0x10, s1;
	s6 =	sadd.s32 $0x20, s1;
	s4 =	sadd.s32 $0x30, s1;
	[tilespmem:v6+s19+$0x0] =	vst.idx.msk $0xffff, v12  }
0xac: {  	s7 =	sadd.s32 $0x40, s1;
	p1 =	sgt.u32 s30, $0xBF;
	s9 =	sadd.s32 $0x50, s1;
	v10 =	vmulhi.u32 $0x51EB851F, v9;
	v15 =	vor.u32 s14, v0;
	v16 =	vor.u32 s6, v0;
	[tilespmem:v7+s19+$0x0] =	vst.idx.msk $0xffff, v14  }
0xad: {  	p2 =	sne.s32 s0, $0x0;
	v17 =	vor.u32 s4, v0;
	v18 =	vor.u32 s7, v0;
	s14 =	simm.s32 @!p1 $0xD;
	s4 =	sadd.s32 $0x70, s1;
	v11 =	vmulhi.u32 $0x51EB851F, v15;
	[tilespmem:v8+s19+$0x0] =	vst.idx.msk $0xffff, v13  }
0xae: {  	v53 =	vor.u32 s4, v0;
	v10 =	vshrl.u32 v10, $0x6;
	v12 =	vmulhi.u32 $0x51EB851F, v16;
	[hbm4b:s16+s3] =	stream.linear.scatter [tilespmem:s19], [sflag:$0x10], $0x2000, $0x38;
	[tilespmem:$0x16400] =	vst v63  }
0xaf: {  	s6 =	simm.s32 @!p1 $0xE400;
	s7 =	simm.s32 @!p2 $0xE400;
	v54 =	vmulhi.u32 $0x51EB851F, v53;
	v10 =	vmul.u32 $0xC8, v10;
	v11 =	vshrl.u32 v11, $0x6;
	_ =	swait.ge @!p1 [sflag:s14], $0x2000  }
0xb0: {  	v19 =	vor.u32 s9, v0;
	s12 =	simm.s32 @!p1 $0x80;
	s9 =	sadd.s32 $0x60, s1;
	v14 =	vmulhi.u32 $0x51EB851F, v17;
	v11 =	vmul.u32 $0xC8, v11;
	[sflag:s14] =	ssyncset.done @!p1 $0x0  }
0xb1: {  	v12 =	vshrl.u32 v12, $0x6;
	v13 =	vmulhi.u32 $0x51EB851F, v18;
	v9 =	vsub.s32 v9, v10;
	s16 =	smov.u32 s29;
	s29 =	sadd.s32 @!p1 $0xFFFFFC80, s8;
	[sflag:s14] =	ssyncadd.s32 @!p1 $0xFFFFE000  }
0xb2: {  	v10 =	vmul.u32 $0xC8, v12;
	v12 =	vshrl.u32 v14, $0x6;
	v14 =	vmulhi.u32 $0x51EB851F, v19;
	[tilespmem:s6], [sflag:$0x5] =	stream.indirect.gather @!p1 [hbm4b:s5+s12], $0x40, s29, s12, $0xb8;
	[tilespmem:$0x16400] =	vst v63  }
0xb3: {  	s4 =	simm.s32 $0x1;
	v9 =	vcvt.s32.f32 v9;
	v11 =	vsub.s32 v15, v11;
	v12 =	vmul.u32 $0xC8, v12;
	s14 =	simm.s32 @!p2 $0x80;
	s6 =	simm.s32 @!p2 $0x200  }
0xb4: {  	v13 =	vshrl.u32 v13, $0x6;
	v15 =	vor.u32 s9, v0;
	v11 =	vcvt.s32.f32 v11;
	[tilespmem:s7], [sflag:$0x5] =	stream.indirect.gather @!p2 [hbm4b:s5+s14], $0x40, s6, s14, $0xb8;
	[tilespmem:$0x16400] =	vst v63  }
0xb5: {  	s9 =	sadd.s32 $0x90, s1;
	v10 =	vsub.s32 v16, v10;
	v13 =	vmul.u32 $0xC8, v13;
	v52 =	vmulhi.u32 $0x51EB851F, v15;
	_ =	swait.ge [sflag:s4], $0x2000  }
0xb6: {  	v14 =	vshrl.u32 v14, $0x6;
	v55 =	vor.u32 s9, v0;
	v12 =	vsub.s32 v17, v12;
	[sflag:s4] =	ssyncset.done $0x0  }
0xb7: {  	v10 =	vcvt.s32.f32 v10;
	v14 =	vmul.u32 $0xC8, v14;
	v12 =	vcvt.s32.f32 v12;
	s7 =	sadd.s32 $0x80, s1;
	[sflag:s4] =	ssyncadd.s32 $0xFFFFE000  }
0xb8: {  	v13 =	vsub.s32 v18, v13;
	v16 =	vshrl.u32 v52, $0x6;
	v20 =	vor.u32 s7, v0;
	[tilespmem:v1+s10+$0x0] =	vst.idx.msk $0xffff, v9  }
0xb9: {  	v18 =	vshrl.u32 v54, $0x6;
	v16 =	vmul.u32 $0xC8, v16;
	v21 =	vmulhi.u32 $0x51EB851F, v20;
	[tilespmem:v2+s10+$0x0] =	vst.idx.msk $0xffff, v11  }
0xba: {  	v13 =	vcvt.s32.f32 v13;
	v9 =	vsub.s32 v19, v14;
	v14 =	vmul.u32 $0xC8, v18;
	[tilespmem:v3+s10+$0x0] =	vst.idx.msk $0xffff, v10  }
0xbb: {  	v9 =	vcvt.s32.f32 v9;
	v11 =	vsub.s32 v15, v16;
	v15 =	vshrl.u32 v21, $0x6;
	[tilespmem:v4+s10+$0x0] =	vst.idx.msk $0xffff, v12  }
0xbc: {  	s4 =	sadd.s32 $0xA0, s1;
	v10 =	vcvt.s32.f32 v11;
	v11 =	vsub.s32 v53, v14;
	v14 =	vmul.u32 $0xC8, v15;
	[tilespmem:v5+s10+$0x0] =	vst.idx.msk $0xffff, v13  }
0xbd: {  	s9 =	sadd.s32 $0xB0, s1;
	v15 =	vor.u32 s4, v0;
	v11 =	vcvt.s32.f32 v11;
	v12 =	vmulhi.u32 $0x51EB851F, v55;
	[tilespmem:v6+s10+$0x0] =	vst.idx.msk $0xffff, v9  }
0xbe: {  	s2 =	sadd.s32 $0x2000, s2;
	v56 =	vor.u32 s9, v0;
	s7 =	rddreg [dreg:$0x6];
	v13 =	vsub.s32 v20, v14;
	v14 =	vmulhi.u32 $0x51EB851F, v15;
	[tilespmem:v7+s10+$0x0] =	vst.idx.msk $0xffff, v10  }
0xbf: {  	s9 =	simm.s32 @!p1 $0xE;
	s7 =	sadd.s32 s2, s7;
	s4 =	sadd.s32 $0xC0, s1;
	v9 =	vcvt.s32.f32 v13;
	v12 =	vshrl.u32 v12, $0x6;
	v13 =	vmulhi.u32 $0x51EB851F, v56;
	[tilespmem:v8+s10+$0x0] =	vst.idx.msk $0xffff, v11  }
0xc0: {  	v10 =	vmul.u32 $0xC8, v12;
	v12 =	vshrl.u32 v14, $0x6;
	[hbm4b:s7+s3] =	stream.linear.scatter [tilespmem:s10], [sflag:$0x9], $0x2000, $0x38;
	[tilespmem:$0x16400] =	vst v63  }
0xc1: {  	v14 =	vor.u32 s4, v0;
	s4 =	sadd.s32 $0xD0, s1;
	v11 =	vmul.u32 $0xC8, v12;
	_ =	swait.ge @!p1 [sflag:s9], $0x2000  }
0xc2: {  	s29 =	sadd.s32 @!p1 $0xFFFFFD00, s8;
	v12 =	vshrl.u32 v13, $0x6;
	v13 =	vmulhi.u32 $0x51EB851F, v14;
	v57 =	vor.u32 s4, v0;
	s4 =	sadd.s32 $0xE0, s1;
	[sflag:s9] =	ssyncset.done @!p1 $0x0  }
0xc3: {  	s6 =	simm.s32 @!p1 $0x10400;
	v10 =	vsub.s32 v55, v10;
	v12 =	vmul.u32 $0xC8, v12;
	s7 =	sadd.s32 $0xF0, s1;
	v58 =	vor.u32 s4, v0;
	[sflag:s9] =	ssyncadd.s32 @!p1 $0xFFFFE000  }
0xc4: {  	v10 =	vcvt.s32.f32 v10;
	v11 =	vsub.s32 v15, v11;
	v13 =	vshrl.u32 v13, $0x6;
	[tilespmem:s6], [sflag:$0x6] =	stream.indirect.gather @!p1 [hbm4b:s5+s12], $0x40, s29, s12, $0xb8;
	[tilespmem:$0x16400] =	vst v63  }
0xc5: {  	s4 =	simm.s32 @!p2 $0x280;
	v15 =	vmulhi.u32 $0x51EB851F, v57;
	v59 =	vor.u32 s7, v0;
	s7 =	sadd.s32 $0x110, s1;
	v11 =	vcvt.s32.f32 v11;
	s6 =	simm.s32 @!p2 $0x10400  }
0xc6: {  	v12 =	vsub.s32 v56, v12;
	v13 =	vmul.u32 $0xC8, v13;
	v60 =	vmulhi.u32 $0x51EB851F, v59;
	[tilespmem:s6], [sflag:$0x6] =	stream.indirect.gather @!p2 [hbm4b:s5+s14], $0x40, s4, s14, $0xb8;
	[tilespmem:$0x16400] =	vst v63  }
0xc7: {  	v22 =	vor.u32 s7, v0;
	s7 =	sadd.s32 $0x140, s1;
	v12 =	vcvt.s32.f32 v12;
	v15 =	vshrl.u32 v15, $0x6;
	_ =	swait.ge [sflag:s18], $0x2000  }
0xc8: {  	s9 =	sadd.s32 $0x100, s1;
	v27 =	vor.u32 s7, v0;
	v13 =	vsub.s32 v14, v13;
	v14 =	vmulhi.u32 $0x51EB851F, v58;
	[sflag:s18] =	ssyncset.done $0x0  }
0xc9: {  	v15 =	vmul.u32 $0xC8, v15;
	v61 =	vor.u32 s9, v0;
	v19 =	vshrl.u32 v60, $0x6;
	[sflag:s18] =	ssyncadd.s32 $0xFFFFE000  }
0xca: {  	v13 =	vcvt.s32.f32 v13;
	v62 =	vmulhi.u32 $0x51EB851F, v61;
	v14 =	vshrl.u32 v14, $0x6;
	[tilespmem:v1+s11+$0x0] =	vst.idx.msk $0xffff, v9  }
0xcb: {  	v63 =	vmul.u32 $0xC8, v19;
	v15 =	vsub.s32 v57, v15;
	s6 =	sadd.s32 $0x130, s1;
	v14 =	vmul.u32 $0xC8, v14;
	[tilespmem:v2+s11+$0x0] =	vst.idx.msk $0xffff, v10  }
0xcc: {  	v15 =	vcvt.s32.f32 v15;
	v23 =	vshrl.u32 v62, $0x6;
	v26 =	vor.u32 s6, v0;
	s6 =	sadd.s32 $0x180, s1;
	[tilespmem:v3+s11+$0x0] =	vst.idx.msk $0xffff, v11  }
0xcd: {  	v16 =	vmul.u32 $0xC8, v23;
	v32 =	vor.u32 s6, v0;
	v14 =	vsub.s32 v58, v14;
	[tilespmem:v4+s11+$0x0] =	vst.idx.msk $0xffff, v12  }
0xce: {  	s9 =	sadd.s32 $0x120, s1;
	v33 =	vmulhi.u32 $0x51EB851F, v32;
	v9 =	vcvt.s32.f32 v14;
	v14 =	vsub.s32 v59, v63;
	[tilespmem:v5+s11+$0x0] =	vst.idx.msk $0xffff, v13  }
0xcf: {  	v24 =	vor.u32 s9, v0;
	v10 =	vcvt.s32.f32 v14;
	v14 =	vmulhi.u32 $0x51EB851F, v22;
	[tilespmem:v6+s11+$0x0] =	vst.idx.msk $0xffff, v15  }
0xd0: {  	v25 =	vmulhi.u32 $0x51EB851F, v24;
	s4 =	rddreg [dreg:$0x5];
	v35 =	vshrl.u32 v33, $0x6;
	v11 =	vsub.s32 v61, v16;
	[tilespmem:v7+s11+$0x0] =	vst.idx.msk $0xffff, v9  }
0xd1: {  	s7 =	simm.s32 @!p1 $0xF;
	s4 =	sadd.s32 s2, s4;
	v17 =	vmul.u32 $0xC8, v35;
	v12 =	vshrl.u32 v14, $0x6;
	v14 =	vmulhi.u32 $0x51EB851F, v26;
	[tilespmem:v8+s11+$0x0] =	vst.idx.msk $0xffff, v10  }
0xd2: {  	v11 =	vcvt.s32.f32 v11;
	v12 =	vmul.u32 $0xC8, v12;
	v13 =	vshrl.u32 v25, $0x6;
	[hbm4b:s4+s3] =	stream.linear.scatter [tilespmem:s11], [sflag:$0xA], $0x2000, $0x38;
	[tilespmem:$0x16400] =	vst v63  }
0xd3: {  	s9 =	sadd.s32 $0x150, s1;
	v13 =	vmul.u32 $0xC8, v13;
	v14 =	vshrl.u32 v14, $0x6;
	v15 =	vmulhi.u32 $0x51EB851F, v27;
	_ =	swait.ge @!p1 [sflag:s7], $0x2000  }
0xd4: {  	v9 =	vsub.s32 v22, v12;
	v12 =	vmul.u32 $0xC8, v14;
	v14 =	vor.u32 s9, v0;
	s9 =	sadd.s32 $0x160, s1;
	[sflag:s7] =	ssyncset.done @!p1 $0x0  }
0xd5: {  	s29 =	simm.s32 @!p1 $0x12400;
	v9 =	vcvt.s32.f32 v9;
	v10 =	vsub.s32 v24, v13;
	v28 =	vor.u32 s9, v0;
	s9 =	sadd.s32 @!p1 $0xFFFFFD80, s8;
	[sflag:s7] =	ssyncadd.s32 @!p1 $0xFFFFE000  }
0xd6: {  	v13 =	vshrl.u32 v15, $0x6;
	v15 =	vmulhi.u32 $0x51EB851F, v14;
	v10 =	vcvt.s32.f32 v10;
	[tilespmem:s29], [sflag:$0x7] =	stream.indirect.gather @!p1 [hbm4b:s5+s12], $0x40, s9, s12, $0xb8;
	[tilespmem:$0x16400] =	vst v63  }
0xd7: {  	s6 =	simm.s32 @!p2 $0x300;
	v12 =	vsub.s32 v26, v12;
	v13 =	vmul.u32 $0xC8, v13;
	s4 =	sadd.s32 $0x170, s1;
	v29 =	vmulhi.u32 $0x51EB851F, v28;
	s7 =	simm.s32 @!p2 $0x12400  }
0xd8: {  	v12 =	vcvt.s32.f32 v12;
	v30 =	vor.u32 s4, v0;
	v15 =	vshrl.u32 v15, $0x6;
	[tilespmem:s7], [sflag:$0x7] =	stream.indirect.gather @!p2 [hbm4b:s5+s14], $0x40, s6, s14, $0xb8;
	[tilespmem:$0x16400] =	vst v63  }
0xd9: {  	s4 =	sadd.s32 $0x190, s1;
	v13 =	vsub.s32 v27, v13;
	v31 =	vmulhi.u32 $0x51EB851F, v30;
	v15 =	vmul.u32 $0xC8, v15;
	_ =	swait.ge [sflag:s20], $0x2000  }
0xda: {  	v16 =	vshrl.u32 v29, $0x6;
	v34 =	vor.u32 s4, v0;
	v13 =	vcvt.s32.f32 v13;
	[sflag:s20] =	ssyncset.done $0x0  }
0xdb: {  	v16 =	vmul.u32 $0xC8, v16;
	v36 =	vmulhi.u32 $0x51EB851F, v34;
	v19 =	vshrl.u32 v31, $0x6;
	s14 =	sadd.s32 $0x1A0, s1;
	[sflag:s20] =	ssyncadd.s32 $0xFFFFE000  }
0xdc: {  	v14 =	vsub.s32 v14, v15;
	v15 =	vmul.u32 $0xC8, v19;
	s6 =	sadd.s32 $0x1B0, s1;
	v37 =	vor.u32 s14, v0;
	[tilespmem:v1+s13+$0x0] =	vst.idx.msk $0xffff, v11  }
0xdd: {  	v14 =	vcvt.s32.f32 v14;
	s7 =	sadd.s32 $0x1C0, s1;
	v39 =	vor.u32 s6, v0;
	v38 =	vmulhi.u32 $0x51EB851F, v37;
	[tilespmem:v2+s13+$0x0] =	vst.idx.msk $0xffff, v9  }
0xde: {  	v16 =	vsub.s32 v28, v16;
	v41 =	vor.u32 s7, v0;
	s14 =	sadd.s32 $0x1E0, s1;
	v40 =	vmulhi.u32 $0x51EB851F, v39;
	[tilespmem:v3+s13+$0x0] =	vst.idx.msk $0xffff, v10  }
0xdf: {  	v16 =	vcvt.s32.f32 v16;
	s6 =	sadd.s32 $0x210, s1;
	v42 =	vmulhi.u32 $0x51EB851F, v41;
	v43 =	vor.u32 s14, v0;
	[tilespmem:v4+s13+$0x0] =	vst.idx.msk $0xffff, v12  }
0xe0: {  	v15 =	vsub.s32 v30, v15;
	s14 =	sadd.s32 $0x200, s1;
	v49 =	vor.u32 s6, v0;
	v44 =	vmulhi.u32 $0x51EB851F, v43;
	[tilespmem:v5+s13+$0x0] =	vst.idx.msk $0xffff, v13  }
0xe1: {  	v15 =	vcvt.s32.f32 v15;
	v47 =	vor.u32 s14, v0;
	v51 =	vmulhi.u32 $0x51EB851F, v49;
	[tilespmem:v6+s13+$0x0] =	vst.idx.msk $0xffff, v14  }
0xe2: {  	p1 =	seq.s32 s0, $0x0;
	s9 =	rddreg [dreg:$0x4];
	v11 =	vsub.s32 v32, v17;
	v48 =	vmulhi.u32 $0x51EB851F, v47;
	[tilespmem:v7+s13+$0x0] =	vst.idx.msk $0xffff, v16  }
0xe3: {  	s7 =	simm.s32 @!p1 $0x10;
	s4 =	sadd.s32 s2, s9;
	v9 =	vcvt.s32.f32 v11;
	v11 =	vshrl.u32 v36, $0x6;
	v17 =	vshrl.u32 v44, $0x6;
	[tilespmem:v8+s13+$0x0] =	vst.idx.msk $0xffff, v15  }
0xe4: {  	v10 =	vmul.u32 $0xC8, v11;
	v11 =	vshrl.u32 v38, $0x6;
	v17 =	vmul.u32 $0xC8, v17;
	[hbm4b:s4+s3] =	stream.linear.scatter [tilespmem:s13], [sflag:$0xB], $0x2000, $0x38;
	[tilespmem:$0x16400] =	vst v63  }
0xe5: {  	s29 =	smov.u32 s16;
	s12 =	sadd.s32 $0x1D0, s1;
	v50 =	vshrl.u32 v48, $0x6;
	v11 =	vmul.u32 $0xC8, v11;
	v12 =	vshrl.u32 v40, $0x6;
	_ =	swait.ge @!p1 [sflag:s7], $0x2000  }
0xe6: {  	s9 =	sadd.s32 @!p1 $0xFFFFFE00, s8;
	v10 =	vsub.s32 v34, v10;
	v12 =	vmul.u32 $0xC8, v12;
	v13 =	vor.u32 s12, v0;
	s12 =	sadd.s32 $0x1F0, s1;
	[sflag:s7] =	ssyncset.done @!p1 $0x0  }
0xe7: {  	s16 =	simm.s32 $0x80;
	s9 =	simm.s32 @p1 $0x380;
	v10 =	vcvt.s32.f32 v10;
	v11 =	vsub.s32 v37, v11;
	v45 =	vor.u32 s12, v0;
	[sflag:s7] =	ssyncadd.s32 @!p1 $0xFFFFE000  }
0xe8: {  	v14 =	vshrl.u32 v42, $0x6;
	v11 =	vcvt.s32.f32 v11;
	v46 =	vmulhi.u32 $0x51EB851F, v45;
	[tilespmem:s19], [sflag:$0x8] =	stream.indirect.gather [hbm4b:s5+s16], $0x40, s9, s16, $0xb8;
	[tilespmem:$0x16400] =	vst v63  }
0xe9: {  	s12 =	sadd.s32 $0x240, s1;
	v12 =	vsub.s32 v39, v12;
	v14 =	vmul.u32 $0xC8, v14;
	v15 =	vmulhi.u32 $0x51EB851F, v13;
	_ =	swait.ge [sflag:s21], $0x2000  }
0xea: {  	v16 =	vsub.s32 v43, v17;
	v56 =	vor.u32 s12, v0;
	v12 =	vcvt.s32.f32 v12;
	[sflag:s21] =	ssyncset.done $0x0  }
0xeb: {  	s12 =	sadd.s32 $0x270, s1;
	v16 =	vcvt.s32.f32 v16;
	v57 =	vmulhi.u32 $0x51EB851F, v56;
	v15 =	vshrl.u32 v15, $0x6;
	[sflag:s21] =	ssyncadd.s32 $0xFFFFE000  }
0xec: {  	v60 =	vor.u32 s12, v0;
	s12 =	sadd.s32 $0x290, s1;
	v14 =	vsub.s32 v41, v14;
	v15 =	vmul.u32 $0xC8, v15;
	[tilespmem:v1+s15+$0x0] =	vst.idx.msk $0xffff, v9  }
0xed: {  	v19 =	vshrl.u32 v46, $0x6;
	v61 =	vmulhi.u32 $0x51EB851F, v60;
	v24 =	vor.u32 s12, v0;
	[tilespmem:v2+s15+$0x0] =	vst.idx.msk $0xffff, v10  }
0xee: {  	v14 =	vcvt.s32.f32 v14;
	v13 =	vsub.s32 v13, v15;
	v15 =	vmul.u32 $0xC8, v19;
	[tilespmem:v3+s15+$0x0] =	vst.idx.msk $0xffff, v11  }
0xef: {  	v17 =	vmul.u32 $0xC8, v50;
	v26 =	vmulhi.u32 $0x51EB851F, v24;
	s7 =	sadd.s32 $0x220, s1;
	s9 =	sadd.s32 $0x230, s1;
	v13 =	vcvt.s32.f32 v13;
	[tilespmem:v4+s15+$0x0] =	vst.idx.msk $0xffff, v12  }
0xf0: {  	v52 =	vor.u32 s7, v0;
	v54 =	vor.u32 s9, v0;
	s9 =	sadd.s32 $0x260, s1;
	v15 =	vsub.s32 v45, v15;
	[tilespmem:v5+s15+$0x0] =	vst.idx.msk $0xffff, v14  }
0xf1: {  	v53 =	vmulhi.u32 $0x51EB851F, v52;
	s14 =	rddreg [dreg:$0x3];
	v58 =	vor.u32 s9, v0;
	v15 =	vcvt.s32.f32 v15;
	[tilespmem:v6+s15+$0x0] =	vst.idx.msk $0xffff, v13  }
0xf2: {  	p1 =	seq.s32 s0, $0x6000;
	v19 =	vshrl.u32 v61, $0x6;
	s4 =	sadd.s32 s2, s14;
	v59 =	vmulhi.u32 $0x51EB851F, v58;
	s14 =	sadd.s32 $0x280, s1;
	[tilespmem:v7+s15+$0x0] =	vst.idx.msk $0xffff, v16  }
0xf3: {  	s6 =	simm.s32 @!p1 $0x9;
	v55 =	vmulhi.u32 $0x51EB851F, v54;
	v9 =	vsub.s32 v47, v17;
	v62 =	vor.u32 s14, v0;
	s14 =	sadd.s32 $0x2A0, s1;
	[tilespmem:v8+s15+$0x0] =	vst.idx.msk $0xffff, v15  }
0xf4: {  	v9 =	vcvt.s32.f32 v9;
	v10 =	vshrl.u32 v51, $0x6;
	v17 =	vshrl.u32 v59, $0x6;
	[hbm4b:s4+s3] =	stream.linear.scatter [tilespmem:s15], [sflag:$0xC], $0x2000, $0x38;
	[tilespmem:$0x16400] =	vst v63  }
0xf5: {  	s7 =	sadd.s32 $0x250, s1;
	s0 =	simm.s32 @!p1 $0x80;
	v63 =	vmulhi.u32 $0x51EB851F, v62;
	v27 =	vor.u32 s14, v0;
	v10 =	vmul.u32 $0xC8, v10;
	_ =	swait.ge @!p1 [sflag:s6], $0x2000  }
0xf6: {  	s9 =	sadd.s32 @!p1 $0xFFFFFE80, s8;
	s14 =	sadd.s32 $0x2E0, s1;
	v11 =	vshrl.u32 v53, $0x6;
	v17 =	vmul.u32 $0xC8, v17;
	v28 =	vmulhi.u32 $0x51EB851F, v27;
	[sflag:s6] =	ssyncset.done @!p1 $0x0  }
0xf7: {  	v33 =	vor.u32 s14, v0;
	s14 =	sadd.s32 $0x310, s1;
	v11 =	vmul.u32 $0xC8, v11;
	v12 =	vshrl.u32 v55, $0x6;
	s4 =	simm.s32 @!p1 $0x6400;
	[sflag:s6] =	ssyncadd.s32 @!p1 $0xFFFFE000  }
0xf8: {  	v25 =	vshrl.u32 v63, $0x6;
	v34 =	vmulhi.u32 $0x51EB851F, v33;
	v14 =	vor.u32 s7, v0;
	[tilespmem:s4], [sflag:$0x1] =	stream.indirect.gather @!p1 [hbm4b:s5+s0], $0x40, s9, s0, $0xb8;
	[tilespmem:$0x16400] =	vst v63  }
0xf9: {  	v39 =	vor.u32 s14, v0;
	v10 =	vsub.s32 v49, v10;
	v15 =	vmulhi.u32 $0x51EB851F, v14;
	_ =	swait.ge [sflag:s23], $0x2000  }
0xfa: {  	v12 =	vmul.u32 $0xC8, v12;
	v10 =	vcvt.s32.f32 v10;
	v13 =	vshrl.u32 v57, $0x6;
	[sflag:s23] =	ssyncset.done $0x0  }
0xfb: {  	v11 =	vsub.s32 v52, v11;
	v13 =	vmul.u32 $0xC8, v13;
	v15 =	vshrl.u32 v15, $0x6;
	[sflag:s23] =	ssyncadd.s32 $0xFFFFE000  }
0xfc: {  	v11 =	vcvt.s32.f32 v11;
	v12 =	vsub.s32 v54, v12;
	v15 =	vmul.u32 $0xC8, v15;
	[tilespmem:v1+s22+$0x0] =	vst.idx.msk $0xffff, v9  }
0xfd: {  	v41 =	vmulhi.u32 $0x51EB851F, v39;
	v12 =	vcvt.s32.f32 v12;
	v13 =	vsub.s32 v56, v13;
	[tilespmem:v2+s22+$0x0] =	vst.idx.msk $0xffff, v10  }
0xfe: {  	s7 =	sadd.s32 $0x2C0, s1;
	v13 =	vcvt.s32.f32 v13;
	v14 =	vsub.s32 v14, v15;
	v15 =	vmul.u32 $0xC8, v19;
	[tilespmem:v3+s22+$0x0] =	vst.idx.msk $0xffff, v11  }
0xff: {  	v31 =	vor.u32 s7, v0;
	v16 =	vsub.s32 v58, v17;
	v14 =	vcvt.s32.f32 v14;
	[tilespmem:v4+s22+$0x0] =	vst.idx.msk $0xffff, v12  }
0x100: {  	v17 =	vmul.u32 $0xC8, v25;
	v16 =	vcvt.s32.f32 v16;
	s6 =	sadd.s32 $0x2B0, s1;
	v15 =	vsub.s32 v60, v15;
	s9 =	rddreg [dreg:$0xa];
	[tilespmem:v5+s22+$0x0] =	vst.idx.msk $0xffff, v13  }
0x101: {  	v32 =	vmulhi.u32 $0x51EB851F, v31;
	v29 =	vor.u32 s6, v0;
	v15 =	vcvt.s32.f32 v15;
	s4 =	sadd.s32 s2, s9;
	s9 =	sadd.s32 $0x2F0, s1;
	[tilespmem:v6+s22+$0x0] =	vst.idx.msk $0xffff, v14  }
0x102: {  	v30 =	vmulhi.u32 $0x51EB851F, v29;
	v35 =	vor.u32 s9, v0;
	[tilespmem:v7+s22+$0x0] =	vst.idx.msk $0xffff, v16  }
0x103: {  	s7 =	simm.s32 @!p1 $0xA;
	v9 =	vsub.s32 v62, v17;
	v10 =	vshrl.u32 v26, $0x6;
	v36 =	vmulhi.u32 $0x51EB851F, v35;
	[tilespmem:v8+s22+$0x0] =	vst.idx.msk $0xffff, v15  }
0x104: {  	v17 =	vshrl.u32 v34, $0x6;
	v10 =	vmul.u32 $0xC8, v10;
	v11 =	vshrl.u32 v28, $0x6;
	[hbm4b:s4+s3] =	stream.linear.scatter [tilespmem:s22], [sflag:$0xD], $0x2000, $0x38;
	[tilespmem:$0x16400] =	vst v63  }
0x105: {  	v9 =	vcvt.s32.f32 v9;
	v17 =	vmul.u32 $0xC8, v17;
	v11 =	vmul.u32 $0xC8, v11;
	_ =	swait.ge @!p1 [sflag:s7], $0x2000  }
0x106: {  	s12 =	sadd.s32 $0x2D0, s1;
	s6 =	sadd.s32 @!p1 $0xFFFFFF00, s8;
	v12 =	vshrl.u32 v30, $0x6;
	v19 =	vshrl.u32 v36, $0x6;
	v10 =	vsub.s32 v24, v10;
	[sflag:s7] =	ssyncset.done @!p1 $0x0  }
0x107: {  	s9 =	simm.s32 @!p1 $0x8400;
	v12 =	vmul.u32 $0xC8, v12;
	v13 =	vor.u32 s12, v0;
	s12 =	sadd.s32 $0x300, s1;
	v10 =	vcvt.s32.f32 v10;
	[sflag:s7] =	ssyncadd.s32 @!p1 $0xFFFFE000  }
0x108: {  	v11 =	vsub.s32 v27, v11;
	v14 =	vshrl.u32 v32, $0x6;
	v37 =	vor.u32 s12, v0;
	[tilespmem:s9], [sflag:$0x2] =	stream.indirect.gather @!p1 [hbm4b:s5+s0], $0x40, s6, s0, $0xb8;
	[tilespmem:$0x16400] =	vst v63  }
0x109: {  	v11 =	vcvt.s32.f32 v11;
	v12 =	vsub.s32 v29, v12;
	v15 =	vmulhi.u32 $0x51EB851F, v13;
	_ =	swait.ge [sflag:s25], $0x2000  }
0x10a: {  	s12 =	sadd.s32 $0x340, s1;
	v14 =	vmul.u32 $0xC8, v14;
	v38 =	vmulhi.u32 $0x51EB851F, v37;
	v16 =	vsub.s32 v33, v17;
	[sflag:s25] =	ssyncset.done $0x0  }
0x10b: {  	v46 =	vor.u32 s12, v0;
	v12 =	vcvt.s32.f32 v12;
	v15 =	vshrl.u32 v15, $0x6;
	[sflag:s25] =	ssyncadd.s32 $0xFFFFE000  }
0x10c: {  	s12 =	sadd.s32 $0x370, s1;
	v16 =	vcvt.s32.f32 v16;
	v47 =	vmulhi.u32 $0x51EB851F, v46;
	v15 =	vmul.u32 $0xC8, v15;
	[tilespmem:v1+s24+$0x0] =	vst.idx.msk $0xffff, v9  }
0x10d: {  	v50 =	vor.u32 s12, v0;
	v14 =	vsub.s32 v31, v14;
	v40 =	vshrl.u32 v38, $0x6;
	[tilespmem:v2+s24+$0x0] =	vst.idx.msk $0xffff, v10  }
0x10e: {  	s12 =	sadd.s32 $0x390, s1;
	v14 =	vcvt.s32.f32 v14;
	v13 =	vsub.s32 v13, v15;
	v15 =	vmul.u32 $0xC8, v19;
	[tilespmem:v3+s24+$0x0] =	vst.idx.msk $0xffff, v11  }
0x10f: {  	v51 =	vmulhi.u32 $0x51EB851F, v50;
	v54 =	vor.u32 s12, v0;
	v13 =	vcvt.s32.f32 v13;
	[tilespmem:v4+s24+$0x0] =	vst.idx.msk $0xffff, v12  }
0x110: {  	v17 =	vmul.u32 $0xC8, v40;
	v56 =	vmulhi.u32 $0x51EB851F, v54;
	s7 =	sadd.s32 $0x320, s1;
	s9 =	sadd.s32 $0x330, s1;
	v15 =	vsub.s32 v35, v15;
	[tilespmem:v5+s24+$0x0] =	vst.idx.msk $0xffff, v14  }
0x111: {  	v42 =	vor.u32 s7, v0;
	v44 =	vor.u32 s9, v0;
	s9 =	sadd.s32 $0x360, s1;
	v15 =	vcvt.s32.f32 v15;
	[tilespmem:v6+s24+$0x0] =	vst.idx.msk $0xffff, v13  }
0x112: {  	s7 =	sadd.s32 $0x350, s1;
	v19 =	vshrl.u32 v51, $0x6;
	v43 =	vmulhi.u32 $0x51EB851F, v42;
	s14 =	rddreg [dreg:$0x9];
	v48 =	vor.u32 s9, v0;
	[tilespmem:v7+s24+$0x0] =	vst.idx.msk $0xffff, v16  }
0x113: {  	s4 =	sadd.s32 s2, s14;
	v49 =	vmulhi.u32 $0x51EB851F, v48;
	s14 =	sadd.s32 $0x380, s1;
	v9 =	vsub.s32 v37, v17;
	v14 =	vor.u32 s7, v0;
	s7 =	simm.s32 @!p1 $0xB;
	[tilespmem:v8+s24+$0x0] =	vst.idx.msk $0xffff, v15  }
0x114: {  	v45 =	vmulhi.u32 $0x51EB851F, v44;
	v52 =	vor.u32 s14, v0;
	v9 =	vcvt.s32.f32 v9;
	[hbm4b:s4+s3] =	stream.linear.scatter [tilespmem:s24], [sflag:$0xE], $0x2000, $0x38;
	[tilespmem:$0x16400] =	vst v63  }
0x115: {  	s14 =	sadd.s32 $0x3A0, s1;
	v10 =	vshrl.u32 v41, $0x6;
	v17 =	vshrl.u32 v49, $0x6;
	v53 =	vmulhi.u32 $0x51EB851F, v52;
	_ =	swait.ge @!p1 [sflag:s7], $0x2000  }
0x116: {  	s6 =	sadd.s32 @!p1 $0xFFFFFF80, s8;
	v57 =	vor.u32 s14, v0;
	v10 =	vmul.u32 $0xC8, v10;
	v11 =	vshrl.u32 v43, $0x6;
	[sflag:s7] =	ssyncset.done @!p1 $0x0  }
0x117: {  	s9 =	simm.s32 @!p1 $0xA400;
	v17 =	vmul.u32 $0xC8, v17;
	v58 =	vmulhi.u32 $0x51EB851F, v57;
	v11 =	vmul.u32 $0xC8, v11;
	[sflag:s7] =	ssyncadd.s32 @!p1 $0xFFFFE000  }
0x118: {  	v12 =	vshrl.u32 v45, $0x6;
	v55 =	vshrl.u32 v53, $0x6;
	v10 =	vsub.s32 v39, v10;
	[tilespmem:s9], [sflag:$0x3] =	stream.indirect.gather @!p1 [hbm4b:s5+s0], $0x40, s6, s0, $0xb8;
	[tilespmem:$0x16400] =	vst v63  }
0x119: {  	v12 =	vmul.u32 $0xC8, v12;
	v11 =	vsub.s32 v42, v11;
	v15 =	vmulhi.u32 $0x51EB851F, v14;
	_ =	swait.ge [sflag:s28], $0x2000  }
0x11a: {  	v10 =	vcvt.s32.f32 v10;
	v13 =	vshrl.u32 v47, $0x6;
	v11 =	vcvt.s32.f32 v11;
	[sflag:s28] =	ssyncset.done $0x0  }
0x11b: {  	v12 =	vsub.s32 v44, v12;
	v13 =	vmul.u32 $0xC8, v13;
	v15 =	vshrl.u32 v15, $0x6;
	[sflag:s28] =	ssyncadd.s32 $0xFFFFE000  }
0x11c: {  	v16 =	vsub.s32 v48, v17;
	v17 =	vmul.u32 $0xC8, v55;
	v15 =	vmul.u32 $0xC8, v15;
	[tilespmem:v1+s26+$0x0] =	vst.idx.msk $0xffff, v9  }
0x11d: {  	v12 =	vcvt.s32.f32 v12;
	v16 =	vcvt.s32.f32 v16;
	v13 =	vsub.s32 v46, v13;
	[tilespmem:v2+s26+$0x0] =	vst.idx.msk $0xffff, v10  }
0x11e: {  	v13 =	vcvt.s32.f32 v13;
	s7 =	sadd.s32 $0x3C0, s1;
	v14 =	vsub.s32 v14, v15;
	v15 =	vmul.u32 $0xC8, v19;
	[tilespmem:v3+s26+$0x0] =	vst.idx.msk $0xffff, v11  }
0x11f: {  	v60 =	vor.u32 s7, v0;
	v14 =	vcvt.s32.f32 v14;
	v9 =	vsub.s32 v52, v17;
	[tilespmem:v4+s26+$0x0] =	vst.idx.msk $0xffff, v12  }
0x120: {  	s6 =	sadd.s32 $0x3B0, s1;
	v15 =	vsub.s32 v50, v15;
	v22 =	vcvt.s32.f32 v9;
	v9 =	vshrl.u32 v56, $0x6;
	[tilespmem:v5+s26+$0x0] =	vst.idx.msk $0xffff, v13  }
0x121: {  	s12 =	sadd.s32 $0x3D0, s1;
	s14 =	sadd.s32 $0x3E0, s1;
	s1 =	sadd.s32 $0x3F0, s1;
	v59 =	vor.u32 s6, v0;
	v15 =	vcvt.s32.f32 v15;
	v9 =	vmul.u32 $0xC8, v9;
	[tilespmem:v6+s26+$0x0] =	vst.idx.msk $0xffff, v14  }
0x122: {  	v62 =	vor.u32 s1, v0;
	s9 =	rddreg [dreg:$0x8];
	v10 =	vmulhi.u32 $0x51EB851F, v59;
	v11 =	vshrl.u32 v58, $0x6;
	[tilespmem:v7+s26+$0x0] =	vst.idx.msk $0xffff, v16  }
0x123: {  	s7 =	simm.s32 @!p1 $0xC;
	s4 =	sadd.s32 s2, s9;
	v11 =	vmul.u32 $0xC8, v11;
	v12 =	vmulhi.u32 $0x51EB851F, v60;
	v9 =	vsub.s32 v54, v9;
	[tilespmem:v8+s26+$0x0] =	vst.idx.msk $0xffff, v15  }
0x124: {  	v10 =	vshrl.u32 v10, $0x6;
	v13 =	vor.u32 s12, v0;
	v61 =	vcvt.s32.f32 v9;
	[hbm4b:s4+s3] =	stream.linear.scatter [tilespmem:s26], [sflag:$0xF], $0x2000, $0x38;
	[tilespmem:$0x16400] =	vst v63  }
0x125: {  	v9 =	vsub.s32 v57, v11;
	v11 =	vshrl.u32 v12, $0x6;
	v12 =	vmulhi.u32 $0x51EB851F, v13;
	_ =	swait.ge @!p1 [sflag:s7], $0x2000  }
0x126: {  	s31 =	sadd.s32 $0x400, s31;
	v63 =	vmulhi.u32 $0x51EB851F, v62;
	v10 =	vmul.u32 $0xC8, v10;
	v14 =	vor.u32 s14, v0;
	[sflag:s7] =	ssyncset.done @!p1 $0x0  }
0x127: {  	p0 =	sne.s32 s31, $0x6400;
	s1 =	simm.s32 @!p1 $0xC400;
	v11 =	vmul.u32 $0xC8, v11;
	v15 =	vmulhi.u32 $0x51EB851F, v14;
	v12 =	vshrl.u32 v12, $0x6;
	[sflag:s7] =	ssyncadd.s32 @!p1 $0xFFFFE000  }
0x128: {  	v17 =	vshrl.u32 v63, $0x6;
	v9 =	vcvt.s32.f32 v9;
	v12 =	vmul.u32 $0xC8, v12;
	[tilespmem:s1], [sflag:$0x4] =	stream.indirect.gather @!p1 [hbm4b:s5+s0], $0x40, s8, s0, $0xb8;
	[tilespmem:$0x16400] =	vst v63  }
.Ltmp0:
0x129: {  	v10 =	vsub.s32 v59, v10;
	v11 =	vsub.s32 v60, v11;
	v15 =	vshrl.u32 v15, $0x6;
	_ =	swait.ge [sflag:s17], $0x2000;
	(pc) =	sbr.rel @p0 .LBB2_2-.Ltmp0, $4  }
0x12a: {  	v15 =	vmul.u32 $0xC8, v15;
	v12 =	vsub.s32 v13, v12;
	v13 =	vmul.u32 $0xC8, v17;
	[sflag:s17] =	ssyncset.done $0x0  }
0x12b: {  	v10 =	vcvt.s32.f32 v10;
	v11 =	vcvt.s32.f32 v11;
	[sflag:s17] =	ssyncadd.s32 $0xFFFFE000  }
0x12c: {  	v12 =	vcvt.s32.f32 v12;
	v14 =	vsub.s32 v14, v15;
	v13 =	vsub.s32 v62, v13;
	[tilespmem:v1+s19+$0x0] =	vst.idx.msk $0xffff, v22  }
0x12d: {  	v14 =	vcvt.s32.f32 v14;
	v13 =	vcvt.s32.f32 v13;
	s12 =	rddreg [dreg:$0x7];
	[tilespmem:v2+s19+$0x0] =	vst.idx.msk $0xffff, v61  }
0x12e: {  	_ =	sdelay $0x3  }
0x12f: {  	[tilespmem:v3+s19+$0x0] =	vst.idx.msk $0xffff, v9  }
0x130: {  	[tilespmem:v4+s19+$0x0] =	vst.idx.msk $0xffff, v10  }
0x131: {  	[tilespmem:v5+s19+$0x0] =	vst.idx.msk $0xffff, v11  }
0x132: {  	[tilespmem:v6+s19+$0x0] =	vst.idx.msk $0xffff, v12  }
0x133: {  	[tilespmem:v7+s19+$0x0] =	vst.idx.msk $0xffff, v14  }
0x134: {  	s0 =	sadd.s32 s2, s12;
	s9 =	simm.s32 $0x9;
	[tilespmem:v8+s19+$0x0] =	vst.idx.msk $0xffff, v13  }
0x135: {  	[hbm4b:s0+s3] =	stream.linear.scatter [tilespmem:s19], [sflag:$0x10], $0x2000, $0x38;
	[tilespmem:$0x16400] =	vst v63  }
0x136: {  	_ =	swait.ge [sflag:s9], $0x2000  }
0x137: {  	[sflag:s9] =	ssyncset.done $0x0  }
0x138: {  	s12 =	simm.s32 $0xA;
	[sflag:s9] =	ssyncadd.s32 $0xFFFFE000  }
0x139: {  	_ =	swait.ge [sflag:s12], $0x2000  }
0x13a: {  	[sflag:s12] =	ssyncset.done $0x0  }
0x13b: {  	s14 =	simm.s32 $0xB;
	[sflag:s12] =	ssyncadd.s32 $0xFFFFE000  }
0x13c: {  	_ =	swait.ge [sflag:s14], $0x2000  }
0x13d: {  	[sflag:s14] =	ssyncset.done $0x0  }
0x13e: {  	s17 =	simm.s32 $0xC;
	[sflag:s14] =	ssyncadd.s32 $0xFFFFE000  }
0x13f: {  	_ =	swait.ge [sflag:s17], $0x2000  }
0x140: {  	[sflag:s17] =	ssyncset.done $0x0  }
0x141: {  	s18 =	simm.s32 $0xD;
	[sflag:s17] =	ssyncadd.s32 $0xFFFFE000  }
0x142: {  	_ =	swait.ge [sflag:s18], $0x2000  }
0x143: {  	[sflag:s18] =	ssyncset.done $0x0  }
0x144: {  	s20 =	simm.s32 $0xE;
	[sflag:s18] =	ssyncadd.s32 $0xFFFFE000  }
0x145: {  	_ =	swait.ge [sflag:s20], $0x2000  }
0x146: {  	[sflag:s20] =	ssyncset.done $0x0  }
0x147: {  	s21 =	simm.s32 $0xF;
	[sflag:s20] =	ssyncadd.s32 $0xFFFFE000  }
0x148: {  	_ =	swait.ge [sflag:s21], $0x2000  }
0x149: {  	[sflag:s21] =	ssyncset.done $0x0  }
0x14a: {  	s1 =	simm.s32 $0x10;
	[sflag:s21] =	ssyncadd.s32 $0xFFFFE000  }
0x14b: {  	_ =	swait.ge [sflag:s1], $0x2000  }
0x14c: {  	s30 =	rddreg [dreg:$0xd]  }
0x14d: {  	s31 =	rddreg [dreg:$0xc];
	s2 =	sadd.s32 $0x1, s30  }
0x14e: {  	p0 =	sne.s32 s2, s31  }
.Ltmp1:
0x14f: {  	_ = 	snop;
	(pc) =	sbr.rel @p0 .LBB2_1-.Ltmp1, $4  }
0x150: {  	s4 =	simm.s32 $0x1  }
0x151: {  	s6 =	simm.s32 $0x2;
	s7 =	simm.s32 $0x3;
	s9 =	simm.s32 $0x4  }
0x152: {  	s17 =	simm.s32 $0x8;
	s18 =	simm.s32 $0x5;
	[sflag:s1] =	ssyncset.done $0x0  }
0x153: {  	s20 =	simm.s32 $0x6;
	s21 =	simm.s32 $0x7;
	[sflag:s1] =	ssyncadd.s32 $0xFFFFE000  }
0x154: {  	_ =	sfence.sel $0x180000  }
0x155: {  	[bflag:$0x0] =	sbarrier.arrive $0xFFFF  }
0x156: {  	_ =	strace $0x90000047  }
0x157: {  	s0 =	stileid.u32;
	[bflag:$0x2] =	sbarrier.arrive $0xFFFF  }
0x158: {  	p0 =	sne.s32 s0, $0x0;
	s0 =	rddreg [dreg:$0x2]  }
0x159: {  	s0 =	sadd.s32 @!p0 $0x100000, s0  }
0x15a: {  	[sflag:s0] =	ssyncadd.tile.s32 @!p0 $0x1;
	_ =	shalt  }
.Lfunc_end2:
_tile_overlayer_lowered:
.L_overlay_start_2:
0x15b: {  	(tag) =	ssettag $0x2  }
0x15c: {  	s0 =	rddreg [dreg:$0x0];
	s2 =	stileid.u32  }
0x15d: {  	s1 =	rddreg [dreg:$0x1];
	p0 =	sne.s32 s2, $0x0  }
0x15e: {  	s3 =	rddreg [dreg:$0x2];
	[bflag:$0x3] =	sbarrier.arrive $0xFFFF;
	s2 =	simm.s32 @!p0 $0x1C12  }
0x15f: {  	[timem:s3], [sflag:s2] =	dma.local @!p0 [hbm:s0], s1  }
0x160: {  	s0 =	simm.s32 @!p0 $0x12  }
0x161: {  	_ =	swait.ge @!p0 [sflag:s0], s1  }
0x162: {  	s1 =	ssub.s32 @!p0 $0x0, s1;
	[sflag:s0] =	ssyncset.done @!p0 $0x0  }
0x163: {  	[sflag:s0] =	ssyncadd.s32 @!p0 s1  }
0x164: {  	[bflag:$0x3] =	sbarrier.arrive $0xFFFF  }
0x165: {  	_ =	shalt  }

// kernel: sparse-core-data-format-call.cloned.1.call-start
scs
called_computation_lowered:
.L_overlay_start_0:
0x0: {  	s2 =	sld [smem:$0x3FD9]  }
0x1: {  	s3 =	sld [smem:$0x3FFE];
	_ =	sdelay $0x1  }
0x2: {  	s1 =	srdreg.scid  }
0x3: {  	s0 =	sand.u32 $0x1, s1  }
0x4: {  	s18 =	sshll.u32 s0, $0xA;
	s2 =	sadd.s32 s3, s2  }
0x5: {  	s2 =	sadd.s32 s2, s18  }
0x6: {  	[smem:$0x3FC6] =	sst s2  }
0x7: {  	_ = 	snop  }
0x8: {  	s2 =	sld [smem:$0x3FD0];
	(tm) =	ssettm $0x1  }
0x9: {  	s19 =	sld [smem:$0x3FFB];
	_ =	sdelay $0x3  }
0xa: {  	_ =	strace s19  }
0xb: {  	s3 =	sld [smem:$0x3FFC];
	_ =	sdelay $0x3  }
0xc: {  	_ =	strace s3  }
0xd: {  	s3 =	sld [smem:$0x3FFD];
	_ =	sdelay $0x3  }
0xe: {  	_ =	strace s3  }
0xf: {  	_ =	strace $0x8FFFFFFF  }
0x10: {  	s20 =	sld [smem:$0x3FDB];
	_ =	sdelay $0x1  }
0x11: {  	s4 =	simm.s32 $_scs_section_size  }
0x12: {  	s5 =	simm.s32 $_size__tile_overlayer_lowered;
	s6 =	simm.s32 $_tile_overlayer_lowered  }
0x13: {  	s23 =	simm.s32 $0x1BFF;
	s22 =	sshll.u32 s6, $0x1;
	s3 =	sadd.s32 s4, s20  }
0x14: {  	s7 =	simm.s32 $0x0;
	s21 =	sshll.u32 s5, $0x1;
	s5 =	sadd.s32 s22, s3  }
0x15: {  	[timem:s7], [sflag:s23] =	dma.local [hbm:s5], s21  }
0x16: {  	_ =	swait.ge [sflag:s23], s21  }
0x17: {  	s4 =	ssub.s32 $0x0, s21;
	[sflag:s23] =	ssyncset.done $0x0  }
0x18: {  	[sflag:s23] =	ssyncadd.s32 s4;
	_ =	sdelay $0x1  }
0x19: {  	s24 =	simm.s32 $0x1B8B  }
0x1a: {  	_ =	swait.ge [sflag:s24], $0x1  }
0x1b: {  	[sflag:s24] =	ssyncset.done $0x0  }
0x1c: {  	s26 =	simm.s32 $0x1B8E;
	s25 =	sld [smem:$0x3FFE];
	[sflag:s24] =	ssyncadd.s32 $0xFFFFFFFF  }
0x1d: {  	s27 =	simm.s32 $execute0_lowered;
	[smem:$0x3FD2] =	sst s26  }
0x1e: {  	s5 =	sshll.u32 s27, $0x1;
	_ =	strace $0x80000049;
	[dreg:$0x1] =	wrdreg $0xFFFFFFFF  }
0x1f: {  	s28 =	simm.s32 $_size_execute0_lowered;
	s3 =	sadd.s32 s3, s5;
	[dreg:$0x0] =	wrdreg $0x0  }
0x20: {  	s5 =	sshll.u32 s28, $0x1;
	[dreg:$0x2] =	wrdreg s3  }
0x21: {  	[dreg:$0x3] =	wrdreg s5  }
0x22: {  	[dreg:$0x4] =	wrdreg $0xC0  }
0x23: {  	_ =	task [dreg:s7], $0x5FFFF  }
0x24: {  	[dreg:$0x1] =	wrdreg $0xFFFFFFFF  }
0x25: {  	[dreg:$0x0] =	wrdreg $0x60  }
0x26: {  	[dreg:$0x2] =	wrdreg s25  }
0x27: {  	[dreg:$0x3] =	wrdreg s2  }
0x28: {  	[dreg:$0x4] =	wrdreg $0x9  }
0x29: {  	_ =	task.clear_ibuf [dreg:s7], $0x5FFFF;
	_ =	strace $0x90000049  }
0x2a: {  	s29 =	simm.s32 $0x9;
	_ =	strace $0x8000004B  }
0x2b: {  	_ =	swait.ge [sflag:s29], $0x1  }
0x2c: {  	[sflag:s29] =	ssyncadd.s32 $0xFFFFFFFF  }
0x2d: {  	_ =	strace $0x9000004B  }
0x2e: {  	_ =	sfence  }
0x2f: {  	s30 =	sld [smem:$0x0];
	_ =	sdelay $0x2  }
0x30: {  	s31 =	sshll.u32 s1, $0xD;
	s1 =	sshrl.u32 s1, $0x2  }
0x31: {  	s3 =	sand.u32 $0x4000, s31;
	s1 =	sadd.s32 s1, s30  }
0x32: {  	s0 =	sor.u32 s3, s0;
	s1 =	sshll.u32 s1, $0x11  }
0x33: {  	s0 =	sor.u32 s1, s0  }
0x34: {  	s0 =	sadd.s32 $0x8F2B, s0  }
0x35: {  	[sflag:s0] =	ssyncadd.remote.s32 $0x1  }
0x36: {  	_ =	sfence.sel $0xFFFF  }
0x37: {  	[dreg:$0x0] =	wrdreg $0xFFFFFFFF;
	(pc) =	sbr.abs _section_cstart, $3  }
0x38: {  	[dreg:$0x1] =	wrdreg $0xFFFFFFFF  }
0x39: {  	_ =	task.clear_ibuf [dreg:s7], $0x2FFFF;
	_ =	strace $0x9FFFFFFF  }
0x3a: {  	(tm) =	ssettm $0x7FFFFFFF  }
0x3b: {  	_ =	shalt  }
tec
execute0_lowered:
.L_overlay_start_1:
0x0: {  	(tag) =	ssettag $0x1  }
0x1: {  	s0 =	srdreg.scid  }
0x2: {  	s1 =	sshll.u32 s0, $0x4  }
0x3: {  	s0 =	stileid.u32;
	s1 =	sand.u32 $0x10, s1  }
0x4: {  	s1 =	sor.u32 s0, s1  }
0x5: {  	s6 =	rddreg [dreg:$0x0];
	s4 =	simm.s32 $0x1;
	s2 =	sshll.u32 s1, $0x7  }
0x6: {  	s7 =	simm.s32 $0x2;
	s12 =	simm.s32 $0x0;
	s1 =	ssub.s32 $0x1000, s2  }
0x7: {  	s8 =	simm.s32 $0x8000;
	s13 =	simm.s32 $0x0;
	s3 =	sand.u32 $0xF80, s1  }
0x8: {  	s9 =	simm.s32 $0x0;
	s5 =	sshrl.u32 s1, $0xC;
	p0 =	sne.s32 s3, $0x0  }
.Ltmp0:
0x9: {  	s1 =	rddreg [dreg:$0x2];
	s4 =	simm.s32 @!p0 $0x0;
	(pc) =	sbr.rel .LBB1_1-.Ltmp0, $4  }
0xa: {  	s11 =	simm.s32 $0x0;
	s3 =	rddreg [dreg:$0x1];
	s5 =	sadd.s32 s4, s5  }
0xb: {  	_ =	strace $0x8000004A;
	s4 =	simm.s32 $0x1;
	s5 =	smul.u32 $0xC8, s5  }
0xc: {  	s6 =	sadd.s32 $0xA00, s6;
	s10 =	smov.u32 s2;
	[sflag:s4] =	ssyncpa.u1 $0x0  }
0xd: {  	p0 =	por $0x0, $0x0;
	[sflag:s7] =	ssyncpa.u1 $0x0;
	s7 =	sor.u32 $0x1, s5  }
.LBB1_4:
0xe: {  	s16 =	sshll.u32 s13, $0x3;
	s17 =	sand.u32 $0x78, s13  }
0xf: {  	s30 =	sand.u32 $0x7E00, s13;
	s12 =	sshll.u32 s12, $0xF;
	s16 =	sand.u32 $0xC00, s16  }
0x10: {  	[tilespmem:s15+$0x810 ss:$0x81] =	vst.msk $0xffff, v2;
	s31 =	sand.u32 $0x7, s13;
	s16 =	sor.u32 s17, s16;
	s17 =	sadd.s32 s3, s30  }
0x11: {  	[tilespmem:s15+$0x1020 ss:$0x81] =	vst.msk $0xffff, v0;
	s13 =	sshll.u32 s31, $0x12;
	s12 =	sadd.s32 s12, s17;
	s16 =	sshrl.u32 s16, $0x3  }
0x12: {  	[tilespmem:s15+$0x0 ss:$0x81] =	vst.msk $0xffff, v1;
	s13 =	sor.u32 $0x400, s13;
	s12 =	sadd.s32 s16, s12  }
0x13: {  	[hbm4b:s12+s13] =	stream.strided.scatter [tilespmem:s14], [sflag:$0x2], $0x2000, s8, s13, $0x20;
	[tilespmem:$0x8080] =	vst v63  }
.LBB1_5:
0x14: {  	s14 =	sadd.s32 $0x1, s9  }
0x15: {  	s12 =	sadd.s32 $0x1000, s10;
	s16 =	smov.u32 s10;
	p2 =	sgt.s32 s14, $0xC7  }
0x16: {  	s16 =	smov.u32 @p2 s12  }
0x17: {  	s14 =	simm.s32 @p2 $0x0;
	p2 =	sgt.s32 s16, $0xFFF  }
0x18: {  	s16 =	smov.u32 @p2 s2;
	p2 =	sne.s32 s11, s7  }
.Ltmp1:
0x19: {  	p1 =	slt.u32 s11, $0x2;
	(pc) =	sbr.rel @!p2 .LBB1_6-.Ltmp1, $4  }
0x1a: {  	s15 =	simm.s32 @!p1 $0x2  }
0x1b: {  	s13 =	smov.u32 s10;
	p0 =	por !p0, !p0;
	_ =	swait.ge @!p1 [sflag:s15], $0x2000  }
0x1c: {  	s12 =	smov.u32 s9;
	[sflag:s15] =	ssyncset.done @!p1 $0x0;
	s9 =	smov.u32 s14  }
0x1d: {  	s11 =	sadd.s32 $0x1, s11;
	[sflag:s15] =	ssyncadd.s32 @!p1 $0xFFFFE000;
	s10 =	smov.u32 s16  }
.LBB1_1:
0x1e: {  	p1 =	sge.u32 s11, s5  }
0x1f: {  	s14 =	sand.u32 @!p1 $0x1FFFFFF, s9  }
0x20: {  	s15 =	smulhi.u32 @!p1 $0x147AE15, s14;
	_ =	sdelay $0x1  }
0x21: {  	s15 =	smul.u32 @!p1 $0xC8, s15  }
0x22: {  	s16 =	sxor.u32 @!p1 $0xFFFFFFFF, s11;
	s17 =	smul.u32 @!p1 $0xC80, s10  }
0x23: {  	s31 =	sadd.s32 $0xFFFFFFFF, s11;
	s16 =	sshll.u32 @!p1 s16, $0xD;
	s14 =	ssub.s32 @!p1 s14, s15  }
0x24: {  	s15 =	sand.u32 @!p1 $0x2000, s16;
	s16 =	sadd.s32 @!p1 s6, s17;
	s14 =	sshll.u32 @!p1 s14, $0x4  }
0x25: {  	s17 =	simm.s32 @!p1 $0x6400;
	s14 =	sadd.s32 @!p1 s14, s16;
	s16 =	simm.s32 @!p1 $0x40  }
0x26: {  	[tilespmem:s15], [sflag:$0x1] =	stream.strided.gather @!p1 [hbm4b:s14+s16], $0x2000, s17, s16, $0x38;
	[tilespmem:$0x8080] =	vst v63  }
0x27: {  	p1 =	sge.u32 s31, s5  }
.Ltmp2:
0x28: {  	_ = 	snop;
	(pc) =	sbr.rel @p1 .LBB1_5-.Ltmp2, $1  }
0x29: {  	_ =	sdelay $0x3  }
0x2a: {  	s14 =	simm.s32 $0x1  }
0x2b: {  	_ =	swait.ge [sflag:s4], $0x2000;
	s14 =	simm.s32 @!p0 $0x0  }
0x2c: {  	[sflag:s4] =	ssyncset.done $0x0;
	s15 =	sshll.u32 s14, $0xD  }
0x2d: {  	[sflag:s4] =	ssyncadd.s32 $0xFFFFE000;
	s18 =	sor.u32 $0x20, s15  }
0x2e: {  	s14 =	smul.u32 $0x8100, s14;
	v3 =	vld [tilespmem:s18+$0x10]  }
0x2f: {  	s30 =	sand.u32 $0x1, s11;
	v2 =	vld [tilespmem:s18+$0xFFFFFFF0]  }
0x30: {  	s15 =	smul.u32 $0x8100, s30;
	s14 =	sshrl.u32 s14, $0x2;
	v0 =	vld [tilespmem:s18+$0x0]  }
0x31: {  	v1 =	vld [tilespmem:s18+$0xFFFFFFE0];
	s16 =	sor.u32 $0x4000, s14  }
0x32: {  	s31 =	sshrl.u32 s15, $0x2;
	s15 =	sadd.s32 $0x0, s16  }
0x33: {  	s17 =	simm.s32 $0x4;
	s18 =	sadd.s32 $0x40, s18;
	s14 =	sor.u32 $0x4000, s31;
	[tilespmem:s15+$0x1830 ss:$0x81] =	vst.msk $0xffff, v3  }
.LBB1_3:
0x34: {  	v3 =	vld [tilespmem:s18+$0x10];
	p1 =	sne.s32 s17, $0x1FC;
	[tilespmem:s15+$0x810 ss:$0x81] =	vst.msk $0xffff, v2;
	s19 =	smov.u32 s17;
	s17 =	sadd.s32 $0x4, s17  }
.Ltmp3:
0x35: {  	v2 =	vld [tilespmem:s18+$0xFFFFFFF0];
	[tilespmem:s15+$0x1020 ss:$0x81] =	vst.msk $0xffff, v0;
	(pc) =	sbr.rel @p1 .LBB1_3-.Ltmp3, $4  }
0x36: {  	v0 =	vld [tilespmem:s18+$0x0];
	[tilespmem:s15+$0x0 ss:$0x81] =	vst.msk $0xffff, v1  }
0x37: {  	s15 =	sshra.s32 s19, $0x2;
	v1 =	vld [tilespmem:s18+$0xFFFFFFE0]  }
0x38: {  	s15 =	sadd.s32 s15, s16  }
0x39: {  	s18 =	sadd.s32 $0x40, s18;
	[tilespmem:s15+$0x1830 ss:$0x81] =	vst.msk $0xffff, v3  }
.Ltmp4:
0x3a: {  	_ = 	snop;
	(pc) =	sbr.rel .LBB1_4-.Ltmp4, $1  }
0x3b: {  	_ =	sdelay $0x3  }
.LBB1_6:
0x3c: {  	_ =	sfence.sel $0x180000  }
0x3d: {  	s2 =	simm.s32 $0x1;
	[bflag:$0x0] =	sbarrier.arrive $0xFFFF  }
0x3e: {  	s31 =	simm.s32 $0x2;
	[sflag:s2] =	ssyncpa.u1 $0x1  }
0x3f: {  	[sflag:s31] =	ssyncpa.u1 $0x1  }
0x40: {  	p0 =	sne.s32 s0, $0x0;
	_ =	strace $0x9000004A  }
0x41: {  	s0 =	sadd.s32 @!p0 $0x100000, s1;
	[bflag:$0x2] =	sbarrier.arrive $0xFFFF  }
0x42: {  	[sflag:s0] =	ssyncadd.tile.s32 @!p0 $0x1;
	_ =	shalt  }
.Lfunc_end1:
_tile_overlayer_lowered:
.L_overlay_start_2:
0x43: {  	(tag) =	ssettag $0x2  }
0x44: {  	s0 =	rddreg [dreg:$0x0];
	s2 =	stileid.u32  }
0x45: {  	s1 =	rddreg [dreg:$0x1];
	p0 =	sne.s32 s2, $0x0  }
0x46: {  	s3 =	rddreg [dreg:$0x2];
	[bflag:$0x3] =	sbarrier.arrive $0xFFFF;
	s2 =	simm.s32 @!p0 $0x1C01  }
0x47: {  	[timem:s3], [sflag:s2] =	dma.local @!p0 [hbm:s0], s1  }
0x48: {  	s0 =	simm.s32 @!p0 $0x1  }
0x49: {  	_ =	swait.ge @!p0 [sflag:s0], s1  }
0x4a: {  	s1 =	ssub.s32 @!p0 $0x0, s1;
	[sflag:s0] =	ssyncset.done @!p0 $0x0  }
0x4b: {  	[sflag:s0] =	ssyncadd.s32 @!p0 s1  }
0x4c: {  	[bflag:$0x3] =	sbarrier.arrive $0xFFFF  }
0x4d: {  	_ =	shalt  }

</sc_bundles>
